<compile_context>
chip_gen: v7x
topology: tpu7x:2x2x1
jax: 0.10.2.dev20260603
libtpu: 0.0.44.dev20260713+nightly
codegen_flags: <defaults>
</compile_context>

<pallas_src>
import functools

import jax
import jax.numpy as jnp
from jax import lax
from jax.experimental import pallas as pl
from jax.experimental.pallas import tpu as pltpu
from jax.experimental.pallas import tpu_sc as plsc

N_NODES = 100000
N_EDGES = 6400000
NC = 2
NS = 16
NW = NC * NS
WW = 2048
G_TOTAL = N_EDGES // WW
NWIN = 98
STRIPE = 6256
ACC_PAD = STRIPE * NS


def _make_sc_kernel():
    mesh = plsc.VectorSubcoreMesh(core_axis_name="c", subcore_axis_name="s")

    @functools.partial(
        pl.kernel,
        mesh=mesh,
        out_type=jax.ShapeDtypeStruct((NC, ACC_PAD), jnp.float32),
        scratch_types=[
            pltpu.VMEM_SHARED((ACC_PAD,), jnp.float32),
            pltpu.VMEM_SHARED((N_NODES,), jnp.float32),
            pltpu.VMEM((2, WW), jnp.int32),
            pltpu.VMEM((2, WW), jnp.int32),
            pltpu.VMEM((WW,), jnp.int32),
            pltpu.VMEM((WW,), jnp.int32),
            pltpu.VMEM((WW,), jnp.int32),
            pltpu.VMEM((WW,), jnp.int32),
            pltpu.VMEM((WW,), jnp.float32),
            pltpu.VMEM((WW,), jnp.float32),
            pltpu.VMEM((WW,), jnp.float32),
            pltpu.VMEM((WW,), jnp.float32),
            pltpu.VMEM((WW,), jnp.float32),
            pltpu.VMEM((WW,), jnp.float32),
            pltpu.SemaphoreType.DMA((2,)),
            pltpu.SemaphoreType.DMA((2,)),
            pltpu.SemaphoreType.DMA((2,)),
            pltpu.SemaphoreType.DMA((2,)),
        ],
    )
    def sc_scatter(rates_hbm, ei_hbm, w_hbm, out_hbm,
                   acc_sh, rates_sh, ed0, ed1, si0, si1, di0, di1,
                   w0, w1, va0, va1, ms0, ms1,
                   sem_ed, sem_w, sem_g, sem_sc):
        c = lax.axis_index("c")
        s = lax.axis_index("s")
        wid = c * NS + s

        ED = [ed0, ed1]
        SI = [si0, si1]
        DI = [di0, di1]
        WB = [w0, w1]
        VA = [va0, va1]
        MS = [ms0, ms1]

        def off_of(k):
            g = wid + NW * k
            g = jnp.where(g < G_TOTAL, g, 0)
            return g * WW

        def issue_in(k, b):
            off = off_of(k)
            pltpu.async_copy(ei_hbm.at[:, pl.ds(off, WW)], ED[b],
                             sem_ed.at[b])
            pltpu.async_copy(w_hbm.at[pl.ds(off, WW)], WB[b], sem_w.at[b])

        def wait_in(k, b):
            off = off_of(k)
            pltpu.make_async_copy(ei_hbm.at[:, pl.ds(off, WW)], ED[b],
                                  sem_ed.at[b]).wait()
            pltpu.make_async_copy(w_hbm.at[pl.ds(off, WW)], WB[b],
                                  sem_w.at[b]).wait()

        def copy_src(b):
            def body(i, mc):
                for u in range(4):
                    sl = pl.ds(i * 64 + u * 16, 16)
                    SI[b][sl] = ED[b][0, sl]
                return mc
            lax.fori_loop(0, WW // 64, body, 0)

        def issue_gather(b):
            pltpu.async_copy(rates_sh.at[SI[b]], VA[b], sem_g.at[b])

        def wait_gather(b):
            pltpu.make_async_copy(rates_sh.at[SI[b]], VA[b],
                                  sem_g.at[b]).wait()

        def issue_scatter(b):
            pltpu.async_copy(MS[b], acc_sh.at[DI[b]], sem_sc.at[b],
                             add=True)

        def wait_scatter(b):
            pltpu.make_async_copy(MS[b], acc_sh.at[DI[b]],
                                  sem_sc.at[b]).wait()

        def compute(b):
            def mul_body(i, mc):
                for u in range(4):
                    sl = pl.ds(i * 64 + u * 16, 16)
                    MS[b][sl] = VA[b][sl] * WB[b][sl]
                    DI[b][sl] = ED[b][1, sl]
                return mc
            lax.fori_loop(0, WW // 64, mul_body, 0)

        issue_in(0, 0)
        issue_in(1, 1)

        def zero_body(i, carry):
            ms0[pl.ds(i * 16, 16)] = jnp.zeros((16,), jnp.float32)
            return carry
        lax.fori_loop(0, WW // 16, zero_body, 0)
        zoff = s * STRIPE
        pltpu.sync_copy(ms0.at[pl.ds(0, WW)], acc_sh.at[pl.ds(zoff, WW)])
        pltpu.sync_copy(ms0.at[pl.ds(0, WW)], acc_sh.at[pl.ds(zoff + WW, WW)])
        pltpu.sync_copy(ms0.at[pl.ds(0, WW)],
                        acc_sh.at[pl.ds(zoff + 2 * WW, WW)])
        pltpu.sync_copy(ms0.at[pl.ds(0, STRIPE - 3 * WW)],
                        acc_sh.at[pl.ds(zoff + 3 * WW, STRIPE - 3 * WW)])

        @pl.when(s == 0)
        def _():
            pltpu.sync_copy(rates_hbm, rates_sh)

        plsc.subcore_barrier()

        wait_in(0, 0)
        copy_src(0)
        issue_gather(0)

        def outer(t, carry):
            for j in range(2):
                k = 2 * t + j
                b = j
                nb = 1 - j
                wait_in(k + 1, nb)
                copy_src(nb)
                issue_gather(nb)
                wait_gather(b)
                compute(b)
                issue_scatter(b)
                if j == 0:

                    @pl.when(t > 0)
                    def _():
                        wait_scatter(nb)
                else:
                    wait_scatter(nb)
                issue_in(k + 2, b)
            return carry
        lax.fori_loop(0, (NWIN - 2) // 2, outer, 0)

        valid97 = wid + NW * (NWIN - 1) < G_TOTAL
        wait_in(97, 1)
        copy_src(1)
        issue_gather(1)
        wait_gather(0)
        compute(0)
        issue_scatter(0)
        wait_scatter(1)
        wait_gather(1)
        compute(1)

        @pl.when(valid97)
        def _():
            issue_scatter(1)
        wait_scatter(0)

        @pl.when(valid97)
        def _():
            wait_scatter(1)

        plsc.subcore_barrier()

        @pl.when(s == 0)
        def _():
            pltpu.sync_copy(acc_sh, out_hbm.at[c])

    return sc_scatter


_sc_scatter = _make_sc_kernel()

_ROWS = 8
_COLS = N_NODES // _ROWS


def _epilogue_body(p0_ref, p1_ref, rates_ref, gain_ref, tau_ref, base_ref,
                   out_ref):
    syn = p0_ref[...] + p1_ref[...]
    act = jnp.tanh(syn + base_ref[...])
    out_ref[...] = (1.0 / tau_ref[...]) * (gain_ref[...] * act - rates_ref[...])


def kernel(rates, gain, time_constant, baseline, edge_weight, edge_index):
    ei = edge_index.astype(jnp.int32)
    partials = _sc_scatter(rates, ei, edge_weight)
    p0 = partials[0, :N_NODES].reshape(_ROWS, _COLS)
    p1 = partials[1, :N_NODES].reshape(_ROWS, _COLS)
    out = pl.pallas_call(
        _epilogue_body,
        out_shape=jax.ShapeDtypeStruct((_ROWS, _COLS), jnp.float32),
    )(p0, p1,
      rates.reshape(_ROWS, _COLS),
      gain.reshape(_ROWS, _COLS),
      time_constant.reshape(_ROWS, _COLS),
      baseline.reshape(_ROWS, _COLS))
    return out.reshape(N_NODES)

# --- scband reference (transcript-rebuilt; emitter-appended) ---
"""Pipeline reference for scband-jax-rate-model-81363860455914 (READ-ONLY COPY).

The authoritative reference and input builder live on the scoring server;
editing this copy changes nothing except your own understanding.
"""

import jax, jax.numpy as jnp
import numpy as np

N_NODES = 100000
N_EDGES = 6400000


def setup_inputs(seed: int = 0) -> dict:
    key = jax.random.key(seed)
    k1, k2, k3, k4, k5, k6 = jax.random.split(key, 6)
    rates = jax.random.normal(k1, (N_NODES,), dtype=jnp.float32)
    gain = jax.random.uniform(k2, (N_NODES,), dtype=jnp.float32)
    time_constant = jax.random.uniform(k3, (N_NODES,), dtype=jnp.float32)
    baseline = jax.random.normal(k4, (N_NODES,), dtype=jnp.float32)
    edge_weight = jax.random.normal(k5, (N_EDGES,), dtype=jnp.float32)
    edge_index = jax.random.randint(k6, (2, N_EDGES), 0, N_NODES, dtype=jnp.int64)
    return {
        "rates": rates,
        "gain": gain,
        "time_constant": time_constant,
        "baseline": baseline,
        "edge_weight": edge_weight,
        "edge_index": edge_index,
    }


def reference(rates, gain, time_constant, baseline, edge_weight, edge_index):
    # Vectorized translation of JaxRateModel.rate_equations for non-input,
    # dynamic neurons with tanh activation:
    #   synaptic_input[j] = sum_{(i,j) in edges} rates[i] * weight[i,j]
    #   d rate[j]/dt = (1/tau[j]) * (-rates[j] + gain[j]*tanh(syn[j] + baseline[j]))
    src = edge_index[0]
    dst = edge_index[1]
    # gather presynaptic rates along edges (SparseCore gather)
    messages = jnp.take(rates, src, axis=0) * edge_weight
    # scatter-add into postsynaptic neurons (SparseCore scatter-add)
    synaptic_input = jnp.zeros((rates.shape[0],), dtype=rates.dtype).at[dst].add(messages)
    activated = jnp.tanh(synaptic_input + baseline)
    derivatives = (1.0 / time_constant) * (-rates + gain * activated)
    return derivatives

if __name__ == "__main__":
    import jax
    _d = setup_inputs()
    print(jax.jit(kernel)(*tuple(_d.values())))

</pallas_src>

<mosaic_0001>
#map = affine_map<(d0, d1) -> (0)>
#map1 = affine_map<(d0, d1) -> (0, 0)>
module attributes {stable_mosaic.version = 14 : i64} {
  func.func @sc_scatter(%arg0: i32, %arg1: i32, %arg2: memref<100000xf32, #tpu.memory_space<hbm>>, %arg3: memref<2x6400000xi32, #tpu.memory_space<hbm>>, %arg4: memref<6400000xf32, #tpu.memory_space<hbm>>, %arg5: memref<2x100096xf32, #tpu.memory_space<hbm>>, %arg6: memref<100096xf32, #tpu.memory_space<vmem_shared>>, %arg7: memref<100000xf32, #tpu.memory_space<vmem_shared>>, %arg8: memref<2x2048xi32, #tpu.memory_space<vmem>>, %arg9: memref<2x2048xi32, #tpu.memory_space<vmem>>, %arg10: memref<2048xi32, #tpu.memory_space<vmem>>, %arg11: memref<2048xi32, #tpu.memory_space<vmem>>, %arg12: memref<2048xi32, #tpu.memory_space<vmem>>, %arg13: memref<2048xi32, #tpu.memory_space<vmem>>, %arg14: memref<2048xf32, #tpu.memory_space<vmem>>, %arg15: memref<2048xf32, #tpu.memory_space<vmem>>, %arg16: memref<2048xf32, #tpu.memory_space<vmem>>, %arg17: memref<2048xf32, #tpu.memory_space<vmem>>, %arg18: memref<2048xf32, #tpu.memory_space<vmem>>, %arg19: memref<2048xf32, #tpu.memory_space<vmem>>, %arg20: memref<2x!tpu.dma_semaphore, #tpu.memory_space<semaphore_mem>>, %arg21: memref<2x!tpu.dma_semaphore, #tpu.memory_space<semaphore_mem>>, %arg22: memref<2x!tpu.dma_semaphore, #tpu.memory_space<semaphore_mem>>, %arg23: memref<2x!tpu.dma_semaphore, #tpu.memory_space<semaphore_mem>>) attributes {dimension_semantics = [#tpu.dimension_semantics<core_parallel>, #tpu.dimension_semantics<subcore_parallel>], iteration_bounds = array<i64: 2, 16>, scalar_prefetch = 0 : i64, scratch_operands = 18 : i64, tpu.core_type = #tpu.core_type<sc_vector_subcore>, window_params = [{transform_indices = #map}, {transform_indices = #map1}, {transform_indices = #map}, {transform_indices = #map1}]} {
    %mul3A = arith.constant 16 : i32
    %mul3A_0 = arith.muli %arg0, %mul3A : i32
    %add3A = arith.addi %mul3A_0, %arg1 : i32
    %add3A_1 = arith.constant 0 : i32
    %add3A_2 = arith.addi %add3A, %add3A_1 : i32
    %lt3A = arith.constant 3125 : i32
    %lt3A_3 = arith.cmpi slt, %add3A_2, %lt3A : i32
    %jit3A = arith.constant 0 : i32
    %select_n3A = arith.select %lt3A_3, %add3A_2, %jit3A : i32
    %mul3A_4 = arith.constant 2048 : i32
    %mul3A_5 = arith.muli %select_n3A, %mul3A_4 : i32
    %dma_start3A = arith.constant 0 : i32
    %dma_start3A_6 = arith.constant 0 : i32
    %dma_start3A_7 = tpu.memref_slice %arg3[%dma_start3A_6, %mul3A_5] : memref<2x6400000xi32, #tpu.memory_space<hbm>> -> memref<2x2048xi32, #tpu.memory_space<hbm>>
    %dma_start3A_8 = tpu.memref_slice %arg20[%dma_start3A] : memref<2x!tpu.dma_semaphore, #tpu.memory_space<semaphore_mem>> -> memref<1x!tpu.dma_semaphore, #tpu.memory_space<semaphore_mem>>
    %dma_start3A_9 = tpu.memref_squeeze %dma_start3A_8 : memref<1x!tpu.dma_semaphore, #tpu.memory_space<semaphore_mem>> -> memref<!tpu.dma_semaphore, #tpu.memory_space<semaphore_mem>>
    %dma_start3A_10 = arith.constant 0 : i32
    %dma_start3A_11 = tpu.memref_slice %arg3[%dma_start3A_10, %mul3A_5] : memref<2x6400000xi32, #tpu.memory_space<hbm>> -> memref<2x2048xi32, #tpu.memory_space<hbm>>
    tpu.enqueue_dma source(%dma_start3A_11 : memref<2x2048xi32, #tpu.memory_space<hbm>>) target(%arg8 : memref<2x2048xi32, #tpu.memory_space<vmem>>) target_semaphore(%dma_start3A_9 : memref<!tpu.dma_semaphore, #tpu.memory_space<semaphore_mem>>)
    %dma_start3A_12 = arith.constant 0 : i32
    %dma_start3A_13 = tpu.memref_slice %arg4[%mul3A_5] : memref<6400000xf32, #tpu.memory_space<hbm>> -> memref<2048xf32, #tpu.memory_space<hbm>>
    %dma_start3A_14 = tpu.memref_slice %arg21[%dma_start3A_12] : memref<2x!tpu.dma_semaphore, #tpu.memory_space<semaphore_mem>> -> memref<1x!tpu.dma_semaphore, #tpu.memory_space<semaphore_mem>>
    %dma_start3A_15 = tpu.memref_squeeze %dma_start3A_14 : memref<1x!tpu.dma_semaphore, #tpu.memory_space<semaphore_mem>> -> memref<!tpu.dma_semaphore, #tpu.memory_space<semaphore_mem>>
    %dma_start3A_16 = tpu.memref_slice %arg4[%mul3A_5] : memref<6400000xf32, #tpu.memory_space<hbm>> -> memref<2048xf32, #tpu.memory_space<hbm>>
    tpu.enqueue_dma source(%dma_start3A_16 : memref<2048xf32, #tpu.memory_space<hbm>>) target(%arg14 : memref<2048xf32, #tpu.memory_space<vmem>>) target_semaphore(%dma_start3A_15 : memref<!tpu.dma_semaphore, #tpu.memory_space<semaphore_mem>>)
    %add3A_17 = arith.constant 32 : i32
    %add3A_18 = arith.addi %add3A, %add3A_17 : i32
    %lt3A_19 = arith.constant 3125 : i32
    %lt3A_20 = arith.cmpi slt, %add3A_18, %lt3A_19 : i32
    %jit3A_21 = arith.constant 0 : i32
    %select_n3A_22 = arith.select %lt3A_20, %add3A_18, %jit3A_21 : i32
    %mul3A_23 = arith.constant 2048 : i32
    %mul3A_24 = arith.muli %select_n3A_22, %mul3A_23 : i32
    %dma_start3A_25 = arith.constant 1 : i32
    %dma_start3A_26 = arith.constant 0 : i32
    %dma_start3A_27 = tpu.memref_slice %arg3[%dma_start3A_26, %mul3A_24] : memref<2x6400000xi32, #tpu.memory_space<hbm>> -> memref<2x2048xi32, #tpu.memory_space<hbm>>
    %dma_start3A_28 = tpu.memref_slice %arg20[%dma_start3A_25] : memref<2x!tpu.dma_semaphore, #tpu.memory_space<semaphore_mem>> -> memref<1x!tpu.dma_semaphore, #tpu.memory_space<semaphore_mem>>
    %dma_start3A_29 = tpu.memref_squeeze %dma_start3A_28 : memref<1x!tpu.dma_semaphore, #tpu.memory_space<semaphore_mem>> -> memref<!tpu.dma_semaphore, #tpu.memory_space<semaphore_mem>>
    %dma_start3A_30 = arith.constant 0 : i32
    %dma_start3A_31 = tpu.memref_slice %arg3[%dma_start3A_30, %mul3A_24] : memref<2x6400000xi32, #tpu.memory_space<hbm>> -> memref<2x2048xi32, #tpu.memory_space<hbm>>
    tpu.enqueue_dma source(%dma_start3A_31 : memref<2x2048xi32, #tpu.memory_space<hbm>>) target(%arg9 : memref<2x2048xi32, #tpu.memory_space<vmem>>) target_semaphore(%dma_start3A_29 : memref<!tpu.dma_semaphore, #tpu.memory_space<semaphore_mem>>)
    %dma_start3A_32 = arith.constant 1 : i32
    %dma_start3A_33 = tpu.memref_slice %arg4[%mul3A_24] : memref<6400000xf32, #tpu.memory_space<hbm>> -> memref<2048xf32, #tpu.memory_space<hbm>>
    %dma_start3A_34 = tpu.memref_slice %arg21[%dma_start3A_32] : memref<2x!tpu.dma_semaphore, #tpu.memory_space<semaphore_mem>> -> memref<1x!tpu.dma_semaphore, #tpu.memory_space<semaphore_mem>>
    %dma_start3A_35 = tpu.memref_squeeze %dma_start3A_34 : memref<1x!tpu.dma_semaphore, #tpu.memory_space<semaphore_mem>> -> memref<!tpu.dma_semaphore, #tpu.memory_space<semaphore_mem>>
    %dma_start3A_36 = tpu.memref_slice %arg4[%mul3A_24] : memref<6400000xf32, #tpu.memory_space<hbm>> -> memref<2048xf32, #tpu.memory_space<hbm>>
    tpu.enqueue_dma source(%dma_start3A_36 : memref<2048xf32, #tpu.memory_space<hbm>>) target(%arg15 : memref<2048xf32, #tpu.memory_space<vmem>>) target_semaphore(%dma_start3A_35 : memref<!tpu.dma_semaphore, #tpu.memory_space<semaphore_mem>>)
    %scan3A = arith.constant 0 : i32
    %scan3A_37 = arith.constant 0 : i32
    %scan3A_38 = arith.constant 128 : i32
    %scan3A_39 = arith.addi %scan3A_37, %scan3A_38 : i32
    %scan3A_40 = arith.constant 1 : i32
    scf.for %scan3A_172 = %scan3A_37 to %scan3A_39 step %scan3A_40  : i32 {
      %broadcast_in_dim3A = arith.constant 0.000000e+00 : f32
      %broadcast_in_dim3A_173 = vector.broadcast %broadcast_in_dim3A : f32 to vector<16xf32>
      %mul3A_174 = arith.constant 16 : i32
      %mul3A_175 = arith.muli %scan3A_172, %mul3A_174 : i32
      %swap3A = arith.index_cast %mul3A_175 : i32 to index
      %swap3A_176 = tpu.vector_load %arg18[%swap3A] {strides = array<i32>} : memref<2048xf32, #tpu.memory_space<vmem>>, vector<16xf32>,
      %swap3A_177 = vector.shape_cast %swap3A_176 : vector<16xf32> to vector<16xf32>
      %swap3A_178 = vector.shape_cast %broadcast_in_dim3A_173 : vector<16xf32> to vector<16xf32>
      tpu.vector_store %arg18[%swap3A], %swap3A_178 {strides = array<i32>} : memref<2048xf32, #tpu.memory_space<vmem>>, vector<16xf32>,
    }
    %scan3A_41 = arith.constant 128 : i32
    %mul3A_42 = arith.constant 6256 : i32
    %mul3A_43 = arith.muli %arg1, %mul3A_42 : i32
    "tpu.region"() ({
      %run_scoped3A = tpu.sem_alloc : memref<!tpu.dma_semaphore, #tpu.memory_space<semaphore_mem>>
      %dma_start3A_172 = arith.constant 0 : i32
      %dma_start3A_173 = tpu.memref_slice %arg18[%dma_start3A_172] : memref<2048xf32, #tpu.memory_space<vmem>> -> memref<2048xf32, #tpu.memory_space<vmem>>
      %dma_start3A_174 = tpu.memref_slice %arg6[%mul3A_43] : memref<100096xf32, #tpu.memory_space<vmem_shared>> -> memref<2048xf32, #tpu.memory_space<vmem_shared>>
      %dma_start3A_175 = tpu.memref_slice %arg6[%mul3A_43] : memref<100096xf32, #tpu.memory_space<vmem_shared>> -> memref<2048xf32, #tpu.memory_space<vmem_shared>>
      %dma_start3A_176 = arith.constant 0 : i32
      %dma_start3A_177 = tpu.memref_slice %arg18[%dma_start3A_176] : memref<2048xf32, #tpu.memory_space<vmem>> -> memref<2048xf32, #tpu.memory_space<vmem>>
      tpu.enqueue_dma source(%dma_start3A_177 : memref<2048xf32, #tpu.memory_space<vmem>>) target(%dma_start3A_175 : memref<2048xf32, #tpu.memory_space<vmem_shared>>) target_semaphore(%run_scoped3A : memref<!tpu.dma_semaphore, #tpu.memory_space<semaphore_mem>>)
      %dma_wait3A_178 = arith.constant 0 : i32
      %dma_wait3A_179 = tpu.memref_slice %arg18[%dma_wait3A_178] : memref<2048xf32, #tpu.memory_space<vmem>> -> memref<2048xf32, #tpu.memory_space<vmem>>
      %dma_wait3A_180 = tpu.memref_slice %arg6[%mul3A_43] : memref<100096xf32, #tpu.memory_space<vmem_shared>> -> memref<2048xf32, #tpu.memory_space<vmem_shared>>
      %dma_wait3A_181 = tpu.memref_slice %arg6[%mul3A_43] : memref<100096xf32, #tpu.memory_space<vmem_shared>> -> memref<2048xf32, #tpu.memory_space<vmem_shared>>
      %dma_wait3A_182 = arith.constant 0 : i32
      %dma_wait3A_183 = tpu.memref_slice %arg18[%dma_wait3A_182] : memref<2048xf32, #tpu.memory_space<vmem>> -> memref<2048xf32, #tpu.memory_space<vmem>>
      tpu.wait_dma2 semaphore(%run_scoped3A : memref<!tpu.dma_semaphore, #tpu.memory_space<semaphore_mem>>) src(%dma_wait3A_183 : memref<2048xf32, #tpu.memory_space<vmem>>) dst(%dma_wait3A_181 : memref<2048xf32, #tpu.memory_space<vmem_shared>>)
      tpu.yield
    }) : () -> ()
    %add3A_44 = arith.constant 2048 : i32
    %add3A_45 = arith.addi %mul3A_43, %add3A_44 : i32
    "tpu.region"() ({
      %run_scoped3A = tpu.sem_alloc : memref<!tpu.dma_semaphore, #tpu.memory_space<semaphore_mem>>
      %dma_start3A_172 = arith.constant 0 : i32
      %dma_start3A_173 = tpu.memref_slice %arg18[%dma_start3A_172] : memref<2048xf32, #tpu.memory_space<vmem>> -> memref<2048xf32, #tpu.memory_space<vmem>>
      %dma_start3A_174 = tpu.memref_slice %arg6[%add3A_45] : memref<100096xf32, #tpu.memory_space<vmem_shared>> -> memref<2048xf32, #tpu.memory_space<vmem_shared>>
      %dma_start3A_175 = tpu.memref_slice %arg6[%add3A_45] : memref<100096xf32, #tpu.memory_space<vmem_shared>> -> memref<2048xf32, #tpu.memory_space<vmem_shared>>
      %dma_start3A_176 = arith.constant 0 : i32
      %dma_start3A_177 = tpu.memref_slice %arg18[%dma_start3A_176] : memref<2048xf32, #tpu.memory_space<vmem>> -> memref<2048xf32, #tpu.memory_space<vmem>>
      tpu.enqueue_dma source(%dma_start3A_177 : memref<2048xf32, #tpu.memory_space<vmem>>) target(%dma_start3A_175 : memref<2048xf32, #tpu.memory_space<vmem_shared>>) target_semaphore(%run_scoped3A : memref<!tpu.dma_semaphore, #tpu.memory_space<semaphore_mem>>)
      %dma_wait3A_178 = arith.constant 0 : i32
      %dma_wait3A_179 = tpu.memref_slice %arg18[%dma_wait3A_178] : memref<2048xf32, #tpu.memory_space<vmem>> -> memref<2048xf32, #tpu.memory_space<vmem>>
      %dma_wait3A_180 = tpu.memref_slice %arg6[%add3A_45] : memref<100096xf32, #tpu.memory_space<vmem_shared>> -> memref<2048xf32, #tpu.memory_space<vmem_shared>>
      %dma_wait3A_181 = tpu.memref_slice %arg6[%add3A_45] : memref<100096xf32, #tpu.memory_space<vmem_shared>> -> memref<2048xf32, #tpu.memory_space<vmem_shared>>
      %dma_wait3A_182 = arith.constant 0 : i32
      %dma_wait3A_183 = tpu.memref_slice %arg18[%dma_wait3A_182] : memref<2048xf32, #tpu.memory_space<vmem>> -> memref<2048xf32, #tpu.memory_space<vmem>>
      tpu.wait_dma2 semaphore(%run_scoped3A : memref<!tpu.dma_semaphore, #tpu.memory_space<semaphore_mem>>) src(%dma_wait3A_183 : memref<2048xf32, #tpu.memory_space<vmem>>) dst(%dma_wait3A_181 : memref<2048xf32, #tpu.memory_space<vmem_shared>>)
      tpu.yield
    }) : () -> ()
    %add3A_46 = arith.constant 4096 : i32
    %add3A_47 = arith.addi %mul3A_43, %add3A_46 : i32
    "tpu.region"() ({
      %run_scoped3A = tpu.sem_alloc : memref<!tpu.dma_semaphore, #tpu.memory_space<semaphore_mem>>
      %dma_start3A_172 = arith.constant 0 : i32
      %dma_start3A_173 = tpu.memref_slice %arg18[%dma_start3A_172] : memref<2048xf32, #tpu.memory_space<vmem>> -> memref<2048xf32, #tpu.memory_space<vmem>>
      %dma_start3A_174 = tpu.memref_slice %arg6[%add3A_47] : memref<100096xf32, #tpu.memory_space<vmem_shared>> -> memref<2048xf32, #tpu.memory_space<vmem_shared>>
      %dma_start3A_175 = tpu.memref_slice %arg6[%add3A_47] : memref<100096xf32, #tpu.memory_space<vmem_shared>> -> memref<2048xf32, #tpu.memory_space<vmem_shared>>
      %dma_start3A_176 = arith.constant 0 : i32
      %dma_start3A_177 = tpu.memref_slice %arg18[%dma_start3A_176] : memref<2048xf32, #tpu.memory_space<vmem>> -> memref<2048xf32, #tpu.memory_space<vmem>>
      tpu.enqueue_dma source(%dma_start3A_177 : memref<2048xf32, #tpu.memory_space<vmem>>) target(%dma_start3A_175 : memref<2048xf32, #tpu.memory_space<vmem_shared>>) target_semaphore(%run_scoped3A : memref<!tpu.dma_semaphore, #tpu.memory_space<semaphore_mem>>)
      %dma_wait3A_178 = arith.constant 0 : i32
      %dma_wait3A_179 = tpu.memref_slice %arg18[%dma_wait3A_178] : memref<2048xf32, #tpu.memory_space<vmem>> -> memref<2048xf32, #tpu.memory_space<vmem>>
      %dma_wait3A_180 = tpu.memref_slice %arg6[%add3A_47] : memref<100096xf32, #tpu.memory_space<vmem_shared>> -> memref<2048xf32, #tpu.memory_space<vmem_shared>>
      %dma_wait3A_181 = tpu.memref_slice %arg6[%add3A_47] : memref<100096xf32, #tpu.memory_space<vmem_shared>> -> memref<2048xf32, #tpu.memory_space<vmem_shared>>
      %dma_wait3A_182 = arith.constant 0 : i32
      %dma_wait3A_183 = tpu.memref_slice %arg18[%dma_wait3A_182] : memref<2048xf32, #tpu.memory_space<vmem>> -> memref<2048xf32, #tpu.memory_space<vmem>>
      tpu.wait_dma2 semaphore(%run_scoped3A : memref<!tpu.dma_semaphore, #tpu.memory_space<semaphore_mem>>) src(%dma_wait3A_183 : memref<2048xf32, #tpu.memory_space<vmem>>) dst(%dma_wait3A_181 : memref<2048xf32, #tpu.memory_space<vmem_shared>>)
      tpu.yield
    }) : () -> ()
    %add3A_48 = arith.constant 6144 : i32
    %add3A_49 = arith.addi %mul3A_43, %add3A_48 : i32
    "tpu.region"() ({
      %run_scoped3A = tpu.sem_alloc : memref<!tpu.dma_semaphore, #tpu.memory_space<semaphore_mem>>
      %dma_start3A_172 = arith.constant 0 : i32
      %dma_start3A_173 = tpu.memref_slice %arg18[%dma_start3A_172] : memref<2048xf32, #tpu.memory_space<vmem>> -> memref<112xf32, #tpu.memory_space<vmem>>
      %dma_start3A_174 = tpu.memref_slice %arg6[%add3A_49] : memref<100096xf32, #tpu.memory_space<vmem_shared>> -> memref<112xf32, #tpu.memory_space<vmem_shared>>
      %dma_start3A_175 = tpu.memref_slice %arg6[%add3A_49] : memref<100096xf32, #tpu.memory_space<vmem_shared>> -> memref<112xf32, #tpu.memory_space<vmem_shared>>
      %dma_start3A_176 = arith.constant 0 : i32
      %dma_start3A_177 = tpu.memref_slice %arg18[%dma_start3A_176] : memref<2048xf32, #tpu.memory_space<vmem>> -> memref<112xf32, #tpu.memory_space<vmem>>
      tpu.enqueue_dma source(%dma_start3A_177 : memref<112xf32, #tpu.memory_space<vmem>>) target(%dma_start3A_175 : memref<112xf32, #tpu.memory_space<vmem_shared>>) target_semaphore(%run_scoped3A : memref<!tpu.dma_semaphore, #tpu.memory_space<semaphore_mem>>)
      %dma_wait3A_178 = arith.constant 0 : i32
      %dma_wait3A_179 = tpu.memref_slice %arg18[%dma_wait3A_178] : memref<2048xf32, #tpu.memory_space<vmem>> -> memref<112xf32, #tpu.memory_space<vmem>>
      %dma_wait3A_180 = tpu.memref_slice %arg6[%add3A_49] : memref<100096xf32, #tpu.memory_space<vmem_shared>> -> memref<112xf32, #tpu.memory_space<vmem_shared>>
      %dma_wait3A_181 = tpu.memref_slice %arg6[%add3A_49] : memref<100096xf32, #tpu.memory_space<vmem_shared>> -> memref<112xf32, #tpu.memory_space<vmem_shared>>
      %dma_wait3A_182 = arith.constant 0 : i32
      %dma_wait3A_183 = tpu.memref_slice %arg18[%dma_wait3A_182] : memref<2048xf32, #tpu.memory_space<vmem>> -> memref<112xf32, #tpu.memory_space<vmem>>
      tpu.wait_dma2 semaphore(%run_scoped3A : memref<!tpu.dma_semaphore, #tpu.memory_space<semaphore_mem>>) src(%dma_wait3A_183 : memref<112xf32, #tpu.memory_space<vmem>>) dst(%dma_wait3A_181 : memref<112xf32, #tpu.memory_space<vmem_shared>>)
      tpu.yield
    }) : () -> ()
    %eq3A = arith.constant 0 : i32
    %eq3A_50 = arith.cmpi eq, %arg1, %eq3A : i32
    %convert_element_type3A = arith.extui %eq3A_50 : i1 to i32
    %cond3A = arith.constant 0 : i32
    %cond3A_51 = arith.cmpi ne, %convert_element_type3A, %cond3A : i32
    scf.if %cond3A_51 {
      "tpu.region"() ({
        %run_scoped3A = tpu.sem_alloc : memref<!tpu.dma_semaphore, #tpu.memory_space<semaphore_mem>>
        tpu.enqueue_dma source(%arg2 : memref<100000xf32, #tpu.memory_space<hbm>>) target(%arg7 : memref<100000xf32, #tpu.memory_space<vmem_shared>>) target_semaphore(%run_scoped3A : memref<!tpu.dma_semaphore, #tpu.memory_space<semaphore_mem>>)
        tpu.wait_dma2 semaphore(%run_scoped3A : memref<!tpu.dma_semaphore, #tpu.memory_space<semaphore_mem>>) src(%arg2 : memref<100000xf32, #tpu.memory_space<hbm>>) dst(%arg7 : memref<100000xf32, #tpu.memory_space<vmem_shared>>)
        tpu.yield
      }) : () -> ()
    } else {
    }
    %barrier3A = arith.constant 0 : index
    tpu.barrier barrier_id(%barrier3A)
    %add3A_52 = arith.constant 0 : i32
    %add3A_53 = arith.addi %add3A, %add3A_52 : i32
    %lt3A_54 = arith.constant 3125 : i32
    %lt3A_55 = arith.cmpi slt, %add3A_53, %lt3A_54 : i32
    %jit3A_56 = arith.constant 0 : i32
    %select_n3A_57 = arith.select %lt3A_55, %add3A_53, %jit3A_56 : i32
    %mul3A_58 = arith.constant 2048 : i32
    %mul3A_59 = arith.muli %select_n3A_57, %mul3A_58 : i32
    %dma_wait3A = arith.constant 0 : i32
    %dma_wait3A_60 = arith.constant 0 : i32
    %dma_wait3A_61 = tpu.memref_slice %arg3[%dma_wait3A_60, %mul3A_59] : memref<2x6400000xi32, #tpu.memory_space<hbm>> -> memref<2x2048xi32, #tpu.memory_space<hbm>>
    %dma_wait3A_62 = tpu.memref_slice %arg20[%dma_wait3A] : memref<2x!tpu.dma_semaphore, #tpu.memory_space<semaphore_mem>> -> memref<1x!tpu.dma_semaphore, #tpu.memory_space<semaphore_mem>>
    %dma_wait3A_63 = tpu.memref_squeeze %dma_wait3A_62 : memref<1x!tpu.dma_semaphore, #tpu.memory_space<semaphore_mem>> -> memref<!tpu.dma_semaphore, #tpu.memory_space<semaphore_mem>>
    %dma_wait3A_64 = arith.constant 0 : i32
    %dma_wait3A_65 = tpu.memref_slice %arg3[%dma_wait3A_64, %mul3A_59] : memref<2x6400000xi32, #tpu.memory_space<hbm>> -> memref<2x2048xi32, #tpu.memory_space<hbm>>
    tpu.wait_dma2 semaphore(%dma_wait3A_63 : memref<!tpu.dma_semaphore, #tpu.memory_space<semaphore_mem>>) src(%dma_wait3A_65 : memref<2x2048xi32, #tpu.memory_space<hbm>>) dst(%arg8 : memref<2x2048xi32, #tpu.memory_space<vmem>>)
    %dma_wait3A_66 = arith.constant 0 : i32
    %dma_wait3A_67 = tpu.memref_slice %arg4[%mul3A_59] : memref<6400000xf32, #tpu.memory_space<hbm>> -> memref<2048xf32, #tpu.memory_space<hbm>>
    %dma_wait3A_68 = tpu.memref_slice %arg21[%dma_wait3A_66] : memref<2x!tpu.dma_semaphore, #tpu.memory_space<semaphore_mem>> -> memref<1x!tpu.dma_semaphore, #tpu.memory_space<semaphore_mem>>
    %dma_wait3A_69 = tpu.memref_squeeze %dma_wait3A_68 : memref<1x!tpu.dma_semaphore, #tpu.memory_space<semaphore_mem>> -> memref<!tpu.dma_semaphore, #tpu.memory_space<semaphore_mem>>
    %dma_wait3A_70 = tpu.memref_slice %arg4[%mul3A_59] : memref<6400000xf32, #tpu.memory_space<hbm>> -> memref<2048xf32, #tpu.memory_space<hbm>>
    tpu.wait_dma2 semaphore(%dma_wait3A_69 : memref<!tpu.dma_semaphore, #tpu.memory_space<semaphore_mem>>) src(%dma_wait3A_70 : memref<2048xf32, #tpu.memory_space<hbm>>) dst(%arg14 : memref<2048xf32, #tpu.memory_space<vmem>>)
    %scan3A_71 = arith.constant 0 : i32
    %scan3A_72 = arith.constant 0 : i32
    %scan3A_73 = arith.constant 32 : i32
    %scan3A_74 = arith.addi %scan3A_72, %scan3A_73 : i32
    %scan3A_75 = arith.constant 1 : i32
    scf.for %scan3A_172 = %scan3A_72 to %scan3A_74 step %scan3A_75  : i32 {
      %mul3A_173 = arith.constant 64 : i32
      %mul3A_174 = arith.muli %scan3A_172, %mul3A_173 : i32
      %add3A_175 = arith.constant 0 : i32
      %add3A_176 = arith.addi %mul3A_174, %add3A_175 : i32
      %get3A = arith.constant 0 : i32
      %get3A_177 = arith.index_cast %get3A : i32 to index
      %get3A_178 = arith.index_cast %add3A_176 : i32 to index
      %get3A_179 = tpu.vector_load %arg8[%get3A_177, %get3A_178] {strides = array<i32>} : memref<2x2048xi32, #tpu.memory_space<vmem>>, vector<1x16xi32>,
      %get3A_180 = vector.shape_cast %get3A_179 : vector<1x16xi32> to vector<16xi32>
      %swap3A = arith.index_cast %add3A_176 : i32 to index
      %swap3A_181 = tpu.vector_load %arg10[%swap3A] {strides = array<i32>} : memref<2048xi32, #tpu.memory_space<vmem>>, vector<16xi32>,
      %swap3A_182 = vector.shape_cast %swap3A_181 : vector<16xi32> to vector<16xi32>
      %swap3A_183 = vector.shape_cast %get3A_180 : vector<16xi32> to vector<16xi32>
      tpu.vector_store %arg10[%swap3A], %swap3A_183 {strides = array<i32>} : memref<2048xi32, #tpu.memory_space<vmem>>, vector<16xi32>,
      %mul3A_184 = arith.constant 64 : i32
      %mul3A_185 = arith.muli %scan3A_172, %mul3A_184 : i32
      %add3A_186 = arith.constant 16 : i32
      %add3A_187 = arith.addi %mul3A_185, %add3A_186 : i32
      %get3A_188 = arith.constant 0 : i32
      %get3A_189 = arith.index_cast %get3A_188 : i32 to index
      %get3A_190 = arith.index_cast %add3A_187 : i32 to index
      %get3A_191 = tpu.vector_load %arg8[%get3A_189, %get3A_190] {strides = array<i32>} : memref<2x2048xi32, #tpu.memory_space<vmem>>, vector<1x16xi32>,
      %get3A_192 = vector.shape_cast %get3A_191 : vector<1x16xi32> to vector<16xi32>
      %swap3A_193 = arith.index_cast %add3A_187 : i32 to index
      %swap3A_194 = tpu.vector_load %arg10[%swap3A_193] {strides = array<i32>} : memref<2048xi32, #tpu.memory_space<vmem>>, vector<16xi32>,
      %swap3A_195 = vector.shape_cast %swap3A_194 : vector<16xi32> to vector<16xi32>
      %swap3A_196 = vector.shape_cast %get3A_192 : vector<16xi32> to vector<16xi32>
      tpu.vector_store %arg10[%swap3A_193], %swap3A_196 {strides = array<i32>} : memref<2048xi32, #tpu.memory_space<vmem>>, vector<16xi32>,
      %mul3A_197 = arith.constant 64 : i32
      %mul3A_198 = arith.muli %scan3A_172, %mul3A_197 : i32
      %add3A_199 = arith.constant 32 : i32
      %add3A_200 = arith.addi %mul3A_198, %add3A_199 : i32
      %get3A_201 = arith.constant 0 : i32
      %get3A_202 = arith.index_cast %get3A_201 : i32 to index
      %get3A_203 = arith.index_cast %add3A_200 : i32 to index
      %get3A_204 = tpu.vector_load %arg8[%get3A_202, %get3A_203] {strides = array<i32>} : memref<2x2048xi32, #tpu.memory_space<vmem>>, vector<1x16xi32>,
      %get3A_205 = vector.shape_cast %get3A_204 : vector<1x16xi32> to vector<16xi32>
      %swap3A_206 = arith.index_cast %add3A_200 : i32 to index
      %swap3A_207 = tpu.vector_load %arg10[%swap3A_206] {strides = array<i32>} : memref<2048xi32, #tpu.memory_space<vmem>>, vector<16xi32>,
      %swap3A_208 = vector.shape_cast %swap3A_207 : vector<16xi32> to vector<16xi32>
      %swap3A_209 = vector.shape_cast %get3A_205 : vector<16xi32> to vector<16xi32>
      tpu.vector_store %arg10[%swap3A_206], %swap3A_209 {strides = array<i32>} : memref<2048xi32, #tpu.memory_space<vmem>>, vector<16xi32>,
      %mul3A_210 = arith.constant 64 : i32
      %mul3A_211 = arith.muli %scan3A_172, %mul3A_210 : i32
      %add3A_212 = arith.constant 48 : i32
      %add3A_213 = arith.addi %mul3A_211, %add3A_212 : i32
      %get3A_214 = arith.constant 0 : i32
      %get3A_215 = arith.index_cast %get3A_214 : i32 to index
      %get3A_216 = arith.index_cast %add3A_213 : i32 to index
      %get3A_217 = tpu.vector_load %arg8[%get3A_215, %get3A_216] {strides = array<i32>} : memref<2x2048xi32, #tpu.memory_space<vmem>>, vector<1x16xi32>,
      %get3A_218 = vector.shape_cast %get3A_217 : vector<1x16xi32> to vector<16xi32>
      %swap3A_219 = arith.index_cast %add3A_213 : i32 to index
      %swap3A_220 = tpu.vector_load %arg10[%swap3A_219] {strides = array<i32>} : memref<2048xi32, #tpu.memory_space<vmem>>, vector<16xi32>,
      %swap3A_221 = vector.shape_cast %swap3A_220 : vector<16xi32> to vector<16xi32>
      %swap3A_222 = vector.shape_cast %get3A_218 : vector<16xi32> to vector<16xi32>
      tpu.vector_store %arg10[%swap3A_219], %swap3A_222 {strides = array<i32>} : memref<2048xi32, #tpu.memory_space<vmem>>, vector<16xi32>,
    }
    %scan3A_76 = arith.constant 32 : i32
    %dma_start3A_77 = arith.constant 0 : i32
    %dma_start3A_78 = arith.constant 0 : i32
    %dma_start3A_79 = tpu.memref_slice %arg7[%dma_start3A_78] : memref<100000xf32, #tpu.memory_space<vmem_shared>> -> memref<100000xf32, #tpu.memory_space<vmem_shared>>
    %dma_start3A_80 = tpu.memref_slice %arg22[%dma_start3A_77] : memref<2x!tpu.dma_semaphore, #tpu.memory_space<semaphore_mem>> -> memref<1x!tpu.dma_semaphore, #tpu.memory_space<semaphore_mem>>
    %dma_start3A_81 = tpu.memref_squeeze %dma_start3A_80 : memref<1x!tpu.dma_semaphore, #tpu.memory_space<semaphore_mem>> -> memref<!tpu.dma_semaphore, #tpu.memory_space<semaphore_mem>>
    tpu.enqueue_indirect_dma source(%dma_start3A_79 : memref<100000xf32, #tpu.memory_space<vmem_shared>>) target(%arg16 : memref<2048xf32, #tpu.memory_space<vmem>>) offsets(%arg10 : memref<2048xi32, #tpu.memory_space<vmem>>) semaphore(%dma_start3A_81 : memref<!tpu.dma_semaphore, #tpu.memory_space<semaphore_mem>>)
    %scan3A_82 = arith.constant 0 : i32
    %scan3A_83 = arith.constant 0 : i32
    %scan3A_84 = arith.constant 48 : i32
    %scan3A_85 = arith.addi %scan3A_83, %scan3A_84 : i32
    %scan3A_86 = arith.constant 1 : i32
    scf.for %scan3A_172 = %scan3A_83 to %scan3A_85 step %scan3A_86  : i32 {
      %mul3A_173 = arith.constant 2 : i32
      %mul3A_174 = arith.muli %mul3A_173, %scan3A_172 : i32
      %add3A_175 = arith.constant 0 : i32
      %add3A_176 = arith.addi %mul3A_174, %add3A_175 : i32
      %add3A_177 = arith.constant 1 : i32
      %add3A_178 = arith.addi %add3A_176, %add3A_177 : i32
      %mul3A_179 = arith.constant 32 : i32
      %mul3A_180 = arith.muli %mul3A_179, %add3A_178 : i32
      %add3A_181 = arith.addi %add3A, %mul3A_180 : i32
      %lt3A_182 = arith.constant 3125 : i32
      %lt3A_183 = arith.cmpi slt, %add3A_181, %lt3A_182 : i32
      %jit3A_184 = arith.constant 0 : i32
      %select_n3A_185 = arith.select %lt3A_183, %add3A_181, %jit3A_184 : i32
      %mul3A_186 = arith.constant 2048 : i32
      %mul3A_187 = arith.muli %select_n3A_185, %mul3A_186 : i32
      %dma_wait3A_188 = arith.constant 1 : i32
      %dma_wait3A_189 = arith.constant 0 : i32
      %dma_wait3A_190 = tpu.memref_slice %arg3[%dma_wait3A_189, %mul3A_187] : memref<2x6400000xi32, #tpu.memory_space<hbm>> -> memref<2x2048xi32, #tpu.memory_space<hbm>>
      %dma_wait3A_191 = tpu.memref_slice %arg20[%dma_wait3A_188] : memref<2x!tpu.dma_semaphore, #tpu.memory_space<semaphore_mem>> -> memref<1x!tpu.dma_semaphore, #tpu.memory_space<semaphore_mem>>
      %dma_wait3A_192 = tpu.memref_squeeze %dma_wait3A_191 : memref<1x!tpu.dma_semaphore, #tpu.memory_space<semaphore_mem>> -> memref<!tpu.dma_semaphore, #tpu.memory_space<semaphore_mem>>
      %dma_wait3A_193 = arith.constant 0 : i32
      %dma_wait3A_194 = tpu.memref_slice %arg3[%dma_wait3A_193, %mul3A_187] : memref<2x6400000xi32, #tpu.memory_space<hbm>> -> memref<2x2048xi32, #tpu.memory_space<hbm>>
      tpu.wait_dma2 semaphore(%dma_wait3A_192 : memref<!tpu.dma_semaphore, #tpu.memory_space<semaphore_mem>>) src(%dma_wait3A_194 : memref<2x2048xi32, #tpu.memory_space<hbm>>) dst(%arg9 : memref<2x2048xi32, #tpu.memory_space<vmem>>)
      %dma_wait3A_195 = arith.constant 1 : i32
      %dma_wait3A_196 = tpu.memref_slice %arg4[%mul3A_187] : memref<6400000xf32, #tpu.memory_space<hbm>> -> memref<2048xf32, #tpu.memory_space<hbm>>
      %dma_wait3A_197 = tpu.memref_slice %arg21[%dma_wait3A_195] : memref<2x!tpu.dma_semaphore, #tpu.memory_space<semaphore_mem>> -> memref<1x!tpu.dma_semaphore, #tpu.memory_space<semaphore_mem>>
      %dma_wait3A_198 = tpu.memref_squeeze %dma_wait3A_197 : memref<1x!tpu.dma_semaphore, #tpu.memory_space<semaphore_mem>> -> memref<!tpu.dma_semaphore, #tpu.memory_space<semaphore_mem>>
      %dma_wait3A_199 = tpu.memref_slice %arg4[%mul3A_187] : memref<6400000xf32, #tpu.memory_space<hbm>> -> memref<2048xf32, #tpu.memory_space<hbm>>
      tpu.wait_dma2 semaphore(%dma_wait3A_198 : memref<!tpu.dma_semaphore, #tpu.memory_space<semaphore_mem>>) src(%dma_wait3A_199 : memref<2048xf32, #tpu.memory_space<hbm>>) dst(%arg15 : memref<2048xf32, #tpu.memory_space<vmem>>)
      %scan3A_200 = arith.constant 0 : i32
      %scan3A_201 = arith.constant 0 : i32
      %scan3A_202 = arith.constant 32 : i32
      %scan3A_203 = arith.addi %scan3A_201, %scan3A_202 : i32
      %scan3A_204 = arith.constant 1 : i32
      scf.for %scan3A_336 = %scan3A_201 to %scan3A_203 step %scan3A_204  : i32 {
        %mul3A_337 = arith.constant 64 : i32
        %mul3A_338 = arith.muli %scan3A_336, %mul3A_337 : i32
        %add3A_339 = arith.constant 0 : i32
        %add3A_340 = arith.addi %mul3A_338, %add3A_339 : i32
        %get3A = arith.constant 0 : i32
        %get3A_341 = arith.index_cast %get3A : i32 to index
        %get3A_342 = arith.index_cast %add3A_340 : i32 to index
        %get3A_343 = tpu.vector_load %arg9[%get3A_341, %get3A_342] {strides = array<i32>} : memref<2x2048xi32, #tpu.memory_space<vmem>>, vector<1x16xi32>,
        %get3A_344 = vector.shape_cast %get3A_343 : vector<1x16xi32> to vector<16xi32>
        %swap3A = arith.index_cast %add3A_340 : i32 to index
        %swap3A_345 = tpu.vector_load %arg11[%swap3A] {strides = array<i32>} : memref<2048xi32, #tpu.memory_space<vmem>>, vector<16xi32>,
        %swap3A_346 = vector.shape_cast %swap3A_345 : vector<16xi32> to vector<16xi32>
        %swap3A_347 = vector.shape_cast %get3A_344 : vector<16xi32> to vector<16xi32>
        tpu.vector_store %arg11[%swap3A], %swap3A_347 {strides = array<i32>} : memref<2048xi32, #tpu.memory_space<vmem>>, vector<16xi32>,
        %mul3A_348 = arith.constant 64 : i32
        %mul3A_349 = arith.muli %scan3A_336, %mul3A_348 : i32
        %add3A_350 = arith.constant 16 : i32
        %add3A_351 = arith.addi %mul3A_349, %add3A_350 : i32
        %get3A_352 = arith.constant 0 : i32
        %get3A_353 = arith.index_cast %get3A_352 : i32 to index
        %get3A_354 = arith.index_cast %add3A_351 : i32 to index
        %get3A_355 = tpu.vector_load %arg9[%get3A_353, %get3A_354] {strides = array<i32>} : memref<2x2048xi32, #tpu.memory_space<vmem>>, vector<1x16xi32>,
        %get3A_356 = vector.shape_cast %get3A_355 : vector<1x16xi32> to vector<16xi32>
        %swap3A_357 = arith.index_cast %add3A_351 : i32 to index
        %swap3A_358 = tpu.vector_load %arg11[%swap3A_357] {strides = array<i32>} : memref<2048xi32, #tpu.memory_space<vmem>>, vector<16xi32>,
        %swap3A_359 = vector.shape_cast %swap3A_358 : vector<16xi32> to vector<16xi32>
        %swap3A_360 = vector.shape_cast %get3A_356 : vector<16xi32> to vector<16xi32>
        tpu.vector_store %arg11[%swap3A_357], %swap3A_360 {strides = array<i32>} : memref<2048xi32, #tpu.memory_space<vmem>>, vector<16xi32>,
        %mul3A_361 = arith.constant 64 : i32
        %mul3A_362 = arith.muli %scan3A_336, %mul3A_361 : i32
        %add3A_363 = arith.constant 32 : i32
        %add3A_364 = arith.addi %mul3A_362, %add3A_363 : i32
        %get3A_365 = arith.constant 0 : i32
        %get3A_366 = arith.index_cast %get3A_365 : i32 to index
        %get3A_367 = arith.index_cast %add3A_364 : i32 to index
        %get3A_368 = tpu.vector_load %arg9[%get3A_366, %get3A_367] {strides = array<i32>} : memref<2x2048xi32, #tpu.memory_space<vmem>>, vector<1x16xi32>,
        %get3A_369 = vector.shape_cast %get3A_368 : vector<1x16xi32> to vector<16xi32>
        %swap3A_370 = arith.index_cast %add3A_364 : i32 to index
        %swap3A_371 = tpu.vector_load %arg11[%swap3A_370] {strides = array<i32>} : memref<2048xi32, #tpu.memory_space<vmem>>, vector<16xi32>,
        %swap3A_372 = vector.shape_cast %swap3A_371 : vector<16xi32> to vector<16xi32>
        %swap3A_373 = vector.shape_cast %get3A_369 : vector<16xi32> to vector<16xi32>
        tpu.vector_store %arg11[%swap3A_370], %swap3A_373 {strides = array<i32>} : memref<2048xi32, #tpu.memory_space<vmem>>, vector<16xi32>,
        %mul3A_374 = arith.constant 64 : i32
        %mul3A_375 = arith.muli %scan3A_336, %mul3A_374 : i32
        %add3A_376 = arith.constant 48 : i32
        %add3A_377 = arith.addi %mul3A_375, %add3A_376 : i32
        %get3A_378 = arith.constant 0 : i32
        %get3A_379 = arith.index_cast %get3A_378 : i32 to index
        %get3A_380 = arith.index_cast %add3A_377 : i32 to index
        %get3A_381 = tpu.vector_load %arg9[%get3A_379, %get3A_380] {strides = array<i32>} : memref<2x2048xi32, #tpu.memory_space<vmem>>, vector<1x16xi32>,
        %get3A_382 = vector.shape_cast %get3A_381 : vector<1x16xi32> to vector<16xi32>
        %swap3A_383 = arith.index_cast %add3A_377 : i32 to index
        %swap3A_384 = tpu.vector_load %arg11[%swap3A_383] {strides = array<i32>} : memref<2048xi32, #tpu.memory_space<vmem>>, vector<16xi32>,
        %swap3A_385 = vector.shape_cast %swap3A_384 : vector<16xi32> to vector<16xi32>
        %swap3A_386 = vector.shape_cast %get3A_382 : vector<16xi32> to vector<16xi32>
        tpu.vector_store %arg11[%swap3A_383], %swap3A_386 {strides = array<i32>} : memref<2048xi32, #tpu.memory_space<vmem>>, vector<16xi32>,
      }
      %scan3A_205 = arith.constant 32 : i32
      %dma_start3A_206 = arith.constant 1 : i32
      %dma_start3A_207 = arith.constant 0 : i32
      %dma_start3A_208 = tpu.memref_slice %arg7[%dma_start3A_207] : memref<100000xf32, #tpu.memory_space<vmem_shared>> -> memref<100000xf32, #tpu.memory_space<vmem_shared>>
      %dma_start3A_209 = tpu.memref_slice %arg22[%dma_start3A_206] : memref<2x!tpu.dma_semaphore, #tpu.memory_space<semaphore_mem>> -> memref<1x!tpu.dma_semaphore, #tpu.memory_space<semaphore_mem>>
      %dma_start3A_210 = tpu.memref_squeeze %dma_start3A_209 : memref<1x!tpu.dma_semaphore, #tpu.memory_space<semaphore_mem>> -> memref<!tpu.dma_semaphore, #tpu.memory_space<semaphore_mem>>
      tpu.enqueue_indirect_dma source(%dma_start3A_208 : memref<100000xf32, #tpu.memory_space<vmem_shared>>) target(%arg17 : memref<2048xf32, #tpu.memory_space<vmem>>) offsets(%arg11 : memref<2048xi32, #tpu.memory_space<vmem>>) semaphore(%dma_start3A_210 : memref<!tpu.dma_semaphore, #tpu.memory_space<semaphore_mem>>)
      %dma_wait3A_211 = arith.constant 0 : i32
      %dma_wait3A_212 = arith.constant 0 : i32
      %dma_wait3A_213 = tpu.memref_slice %arg7[%dma_wait3A_212] : memref<100000xf32, #tpu.memory_space<vmem_shared>> -> memref<100000xf32, #tpu.memory_space<vmem_shared>>
      %dma_wait3A_214 = tpu.memref_slice %arg22[%dma_wait3A_211] : memref<2x!tpu.dma_semaphore, #tpu.memory_space<semaphore_mem>> -> memref<1x!tpu.dma_semaphore, #tpu.memory_space<semaphore_mem>>
      %dma_wait3A_215 = tpu.memref_squeeze %dma_wait3A_214 : memref<1x!tpu.dma_semaphore, #tpu.memory_space<semaphore_mem>> -> memref<!tpu.dma_semaphore, #tpu.memory_space<semaphore_mem>>
      tpu.wait_indirect_dma semaphore(%dma_wait3A_215 : memref<!tpu.dma_semaphore, #tpu.memory_space<semaphore_mem>>) src(%dma_wait3A_213 : memref<100000xf32, #tpu.memory_space<vmem_shared>>) dst(%arg16 : memref<2048xf32, #tpu.memory_space<vmem>>)
      %scan3A_216 = arith.constant 0 : i32
      %scan3A_217 = arith.constant 0 : i32
      %scan3A_218 = arith.constant 32 : i32
      %scan3A_219 = arith.addi %scan3A_217, %scan3A_218 : i32
      %scan3A_220 = arith.constant 1 : i32
      scf.for %scan3A_336 = %scan3A_217 to %scan3A_219 step %scan3A_220  : i32 {
        %mul3A_337 = arith.constant 64 : i32
        %mul3A_338 = arith.muli %scan3A_336, %mul3A_337 : i32
        %add3A_339 = arith.constant 0 : i32
        %add3A_340 = arith.addi %mul3A_338, %add3A_339 : i32
        %get3A = arith.index_cast %add3A_340 : i32 to index
        %get3A_341 = tpu.vector_load %arg16[%get3A] {strides = array<i32>} : memref<2048xf32, #tpu.memory_space<vmem>>, vector<16xf32>,
        %get3A_342 = vector.shape_cast %get3A_341 : vector<16xf32> to vector<16xf32>
        %get3A_343 = arith.index_cast %add3A_340 : i32 to index
        %get3A_344 = tpu.vector_load %arg14[%get3A_343] {strides = array<i32>} : memref<2048xf32, #tpu.memory_space<vmem>>, vector<16xf32>,
        %get3A_345 = vector.shape_cast %get3A_344 : vector<16xf32> to vector<16xf32>
        %mul3A_346 = arith.mulf %get3A_342, %get3A_345 : vector<16xf32>
        %swap3A = arith.index_cast %add3A_340 : i32 to index
        %swap3A_347 = tpu.vector_load %arg18[%swap3A] {strides = array<i32>} : memref<2048xf32, #tpu.memory_space<vmem>>, vector<16xf32>,
        %swap3A_348 = vector.shape_cast %swap3A_347 : vector<16xf32> to vector<16xf32>
        %swap3A_349 = vector.shape_cast %mul3A_346 : vector<16xf32> to vector<16xf32>
        tpu.vector_store %arg18[%swap3A], %swap3A_349 {strides = array<i32>} : memref<2048xf32, #tpu.memory_space<vmem>>, vector<16xf32>,
        %get3A_350 = arith.constant 1 : i32
        %get3A_351 = arith.index_cast %get3A_350 : i32 to index
        %get3A_352 = arith.index_cast %add3A_340 : i32 to index
        %get3A_353 = tpu.vector_load %arg8[%get3A_351, %get3A_352] {strides = array<i32>} : memref<2x2048xi32, #tpu.memory_space<vmem>>, vector<1x16xi32>,
        %get3A_354 = vector.shape_cast %get3A_353 : vector<1x16xi32> to vector<16xi32>
        %swap3A_355 = arith.index_cast %add3A_340 : i32 to index
        %swap3A_356 = tpu.vector_load %arg12[%swap3A_355] {strides = array<i32>} : memref<2048xi32, #tpu.memory_space<vmem>>, vector<16xi32>,
        %swap3A_357 = vector.shape_cast %swap3A_356 : vector<16xi32> to vector<16xi32>
        %swap3A_358 = vector.shape_cast %get3A_354 : vector<16xi32> to vector<16xi32>
        tpu.vector_store %arg12[%swap3A_355], %swap3A_358 {strides = array<i32>} : memref<2048xi32, #tpu.memory_space<vmem>>, vector<16xi32>,
        %mul3A_359 = arith.constant 64 : i32
        %mul3A_360 = arith.muli %scan3A_336, %mul3A_359 : i32
        %add3A_361 = arith.constant 16 : i32
        %add3A_362 = arith.addi %mul3A_360, %add3A_361 : i32
        %get3A_363 = arith.index_cast %add3A_362 : i32 to index
        %get3A_364 = tpu.vector_load %arg16[%get3A_363] {strides = array<i32>} : memref<2048xf32, #tpu.memory_space<vmem>>, vector<16xf32>,
        %get3A_365 = vector.shape_cast %get3A_364 : vector<16xf32> to vector<16xf32>
        %get3A_366 = arith.index_cast %add3A_362 : i32 to index
        %get3A_367 = tpu.vector_load %arg14[%get3A_366] {strides = array<i32>} : memref<2048xf32, #tpu.memory_space<vmem>>, vector<16xf32>,
        %get3A_368 = vector.shape_cast %get3A_367 : vector<16xf32> to vector<16xf32>
        %mul3A_369 = arith.mulf %get3A_365, %get3A_368 : vector<16xf32>
        %swap3A_370 = arith.index_cast %add3A_362 : i32 to index
        %swap3A_371 = tpu.vector_load %arg18[%swap3A_370] {strides = array<i32>} : memref<2048xf32, #tpu.memory_space<vmem>>, vector<16xf32>,
        %swap3A_372 = vector.shape_cast %swap3A_371 : vector<16xf32> to vector<16xf32>
        %swap3A_373 = vector.shape_cast %mul3A_369 : vector<16xf32> to vector<16xf32>
        tpu.vector_store %arg18[%swap3A_370], %swap3A_373 {strides = array<i32>} : memref<2048xf32, #tpu.memory_space<vmem>>, vector<16xf32>,
        %get3A_374 = arith.constant 1 : i32
        %get3A_375 = arith.index_cast %get3A_374 : i32 to index
        %get3A_376 = arith.index_cast %add3A_362 : i32 to index
        %get3A_377 = tpu.vector_load %arg8[%get3A_375, %get3A_376] {strides = array<i32>} : memref<2x2048xi32, #tpu.memory_space<vmem>>, vector<1x16xi32>,
        %get3A_378 = vector.shape_cast %get3A_377 : vector<1x16xi32> to vector<16xi32>
        %swap3A_379 = arith.index_cast %add3A_362 : i32 to index
        %swap3A_380 = tpu.vector_load %arg12[%swap3A_379] {strides = array<i32>} : memref<2048xi32, #tpu.memory_space<vmem>>, vector<16xi32>,
        %swap3A_381 = vector.shape_cast %swap3A_380 : vector<16xi32> to vector<16xi32>
        %swap3A_382 = vector.shape_cast %get3A_378 : vector<16xi32> to vector<16xi32>
        tpu.vector_store %arg12[%swap3A_379], %swap3A_382 {strides = array<i32>} : memref<2048xi32, #tpu.memory_space<vmem>>, vector<16xi32>,
        %mul3A_383 = arith.constant 64 : i32
        %mul3A_384 = arith.muli %scan3A_336, %mul3A_383 : i32
        %add3A_385 = arith.constant 32 : i32
        %add3A_386 = arith.addi %mul3A_384, %add3A_385 : i32
        %get3A_387 = arith.index_cast %add3A_386 : i32 to index
        %get3A_388 = tpu.vector_load %arg16[%get3A_387] {strides = array<i32>} : memref<2048xf32, #tpu.memory_space<vmem>>, vector<16xf32>,
        %get3A_389 = vector.shape_cast %get3A_388 : vector<16xf32> to vector<16xf32>
        %get3A_390 = arith.index_cast %add3A_386 : i32 to index
        %get3A_391 = tpu.vector_load %arg14[%get3A_390] {strides = array<i32>} : memref<2048xf32, #tpu.memory_space<vmem>>, vector<16xf32>,
        %get3A_392 = vector.shape_cast %get3A_391 : vector<16xf32> to vector<16xf32>
        %mul3A_393 = arith.mulf %get3A_389, %get3A_392 : vector<16xf32>
        %swap3A_394 = arith.index_cast %add3A_386 : i32 to index
        %swap3A_395 = tpu.vector_load %arg18[%swap3A_394] {strides = array<i32>} : memref<2048xf32, #tpu.memory_space<vmem>>, vector<16xf32>,
        %swap3A_396 = vector.shape_cast %swap3A_395 : vector<16xf32> to vector<16xf32>
        %swap3A_397 = vector.shape_cast %mul3A_393 : vector<16xf32> to vector<16xf32>
        tpu.vector_store %arg18[%swap3A_394], %swap3A_397 {strides = array<i32>} : memref<2048xf32, #tpu.memory_space<vmem>>, vector<16xf32>,
        %get3A_398 = arith.constant 1 : i32
        %get3A_399 = arith.index_cast %get3A_398 : i32 to index
        %get3A_400 = arith.index_cast %add3A_386 : i32 to index
        %get3A_401 = tpu.vector_load %arg8[%get3A_399, %get3A_400] {strides = array<i32>} : memref<2x2048xi32, #tpu.memory_space<vmem>>, vector<1x16xi32>,
        %get3A_402 = vector.shape_cast %get3A_401 : vector<1x16xi32> to vector<16xi32>
        %swap3A_403 = arith.index_cast %add3A_386 : i32 to index
        %swap3A_404 = tpu.vector_load %arg12[%swap3A_403] {strides = array<i32>} : memref<2048xi32, #tpu.memory_space<vmem>>, vector<16xi32>,
        %swap3A_405 = vector.shape_cast %swap3A_404 : vector<16xi32> to vector<16xi32>
        %swap3A_406 = vector.shape_cast %get3A_402 : vector<16xi32> to vector<16xi32>
        tpu.vector_store %arg12[%swap3A_403], %swap3A_406 {strides = array<i32>} : memref<2048xi32, #tpu.memory_space<vmem>>, vector<16xi32>,
        %mul3A_407 = arith.constant 64 : i32
        %mul3A_408 = arith.muli %scan3A_336, %mul3A_407 : i32
        %add3A_409 = arith.constant 48 : i32
        %add3A_410 = arith.addi %mul3A_408, %add3A_409 : i32
        %get3A_411 = arith.index_cast %add3A_410 : i32 to index
        %get3A_412 = tpu.vector_load %arg16[%get3A_411] {strides = array<i32>} : memref<2048xf32, #tpu.memory_space<vmem>>, vector<16xf32>,
        %get3A_413 = vector.shape_cast %get3A_412 : vector<16xf32> to vector<16xf32>
        %get3A_414 = arith.index_cast %add3A_410 : i32 to index
        %get3A_415 = tpu.vector_load %arg14[%get3A_414] {strides = array<i32>} : memref<2048xf32, #tpu.memory_space<vmem>>, vector<16xf32>,
        %get3A_416 = vector.shape_cast %get3A_415 : vector<16xf32> to vector<16xf32>
        %mul3A_417 = arith.mulf %get3A_413, %get3A_416 : vector<16xf32>
        %swap3A_418 = arith.index_cast %add3A_410 : i32 to index
        %swap3A_419 = tpu.vector_load %arg18[%swap3A_418] {strides = array<i32>} : memref<2048xf32, #tpu.memory_space<vmem>>, vector<16xf32>,
        %swap3A_420 = vector.shape_cast %swap3A_419 : vector<16xf32> to vector<16xf32>
        %swap3A_421 = vector.shape_cast %mul3A_417 : vector<16xf32> to vector<16xf32>
        tpu.vector_store %arg18[%swap3A_418], %swap3A_421 {strides = array<i32>} : memref<2048xf32, #tpu.memory_space<vmem>>, vector<16xf32>,
        %get3A_422 = arith.constant 1 : i32
        %get3A_423 = arith.index_cast %get3A_422 : i32 to index
        %get3A_424 = arith.index_cast %add3A_410 : i32 to index
        %get3A_425 = tpu.vector_load %arg8[%get3A_423, %get3A_424] {strides = array<i32>} : memref<2x2048xi32, #tpu.memory_space<vmem>>, vector<1x16xi32>,
        %get3A_426 = vector.shape_cast %get3A_425 : vector<1x16xi32> to vector<16xi32>
        %swap3A_427 = arith.index_cast %add3A_410 : i32 to index
        %swap3A_428 = tpu.vector_load %arg12[%swap3A_427] {strides = array<i32>} : memref<2048xi32, #tpu.memory_space<vmem>>, vector<16xi32>,
        %swap3A_429 = vector.shape_cast %swap3A_428 : vector<16xi32> to vector<16xi32>
        %swap3A_430 = vector.shape_cast %get3A_426 : vector<16xi32> to vector<16xi32>
        tpu.vector_store %arg12[%swap3A_427], %swap3A_430 {strides = array<i32>} : memref<2048xi32, #tpu.memory_space<vmem>>, vector<16xi32>,
      }
      %scan3A_221 = arith.constant 32 : i32
      %dma_start3A_222 = arith.constant 0 : i32
      %dma_start3A_223 = arith.constant 0 : i32
      %dma_start3A_224 = tpu.memref_slice %arg6[%dma_start3A_223] : memref<100096xf32, #tpu.memory_space<vmem_shared>> -> memref<100096xf32, #tpu.memory_space<vmem_shared>>
      %dma_start3A_225 = tpu.memref_slice %arg23[%dma_start3A_222] : memref<2x!tpu.dma_semaphore, #tpu.memory_space<semaphore_mem>> -> memref<1x!tpu.dma_semaphore, #tpu.memory_space<semaphore_mem>>
      %dma_start3A_226 = tpu.memref_squeeze %dma_start3A_225 : memref<1x!tpu.dma_semaphore, #tpu.memory_space<semaphore_mem>> -> memref<!tpu.dma_semaphore, #tpu.memory_space<semaphore_mem>>
      tpu.enqueue_indirect_dma source(%arg18 : memref<2048xf32, #tpu.memory_space<vmem>>) target(%dma_start3A_224 : memref<100096xf32, #tpu.memory_space<vmem_shared>>) offsets(%arg12 : memref<2048xi32, #tpu.memory_space<vmem>>) semaphore(%dma_start3A_226 : memref<!tpu.dma_semaphore, #tpu.memory_space<semaphore_mem>>) {add = true}
      %gt3A = arith.constant 0 : i32
      %gt3A_227 = arith.cmpi sgt, %scan3A_172, %gt3A : i32
      %convert_element_type3A_228 = arith.extui %gt3A_227 : i1 to i32
      %cond3A_229 = arith.constant 0 : i32
      %cond3A_230 = arith.cmpi ne, %convert_element_type3A_228, %cond3A_229 : i32
      scf.if %cond3A_230 {
        %dma_wait3A_336 = arith.constant 1 : i32
        %dma_wait3A_337 = arith.constant 0 : i32
        %dma_wait3A_338 = tpu.memref_slice %arg6[%dma_wait3A_337] : memref<100096xf32, #tpu.memory_space<vmem_shared>> -> memref<100096xf32, #tpu.memory_space<vmem_shared>>
        %dma_wait3A_339 = tpu.memref_slice %arg23[%dma_wait3A_336] : memref<2x!tpu.dma_semaphore, #tpu.memory_space<semaphore_mem>> -> memref<1x!tpu.dma_semaphore, #tpu.memory_space<semaphore_mem>>
        %dma_wait3A_340 = tpu.memref_squeeze %dma_wait3A_339 : memref<1x!tpu.dma_semaphore, #tpu.memory_space<semaphore_mem>> -> memref<!tpu.dma_semaphore, #tpu.memory_space<semaphore_mem>>
        tpu.wait_indirect_dma semaphore(%dma_wait3A_340 : memref<!tpu.dma_semaphore, #tpu.memory_space<semaphore_mem>>) src(%arg19 : memref<2048xf32, #tpu.memory_space<vmem>>) dst(%dma_wait3A_338 : memref<100096xf32, #tpu.memory_space<vmem_shared>>)
      } else {
      }
      %add3A_231 = arith.constant 2 : i32
      %add3A_232 = arith.addi %add3A_176, %add3A_231 : i32
      %mul3A_233 = arith.constant 32 : i32
      %mul3A_234 = arith.muli %mul3A_233, %add3A_232 : i32
      %add3A_235 = arith.addi %add3A, %mul3A_234 : i32
      %lt3A_236 = arith.constant 3125 : i32
      %lt3A_237 = arith.cmpi slt, %add3A_235, %lt3A_236 : i32
      %jit3A_238 = arith.constant 0 : i32
      %select_n3A_239 = arith.select %lt3A_237, %add3A_235, %jit3A_238 : i32
      %mul3A_240 = arith.constant 2048 : i32
      %mul3A_241 = arith.muli %select_n3A_239, %mul3A_240 : i32
      %dma_start3A_242 = arith.constant 0 : i32
      %dma_start3A_243 = arith.constant 0 : i32
      %dma_start3A_244 = tpu.memref_slice %arg3[%dma_start3A_243, %mul3A_241] : memref<2x6400000xi32, #tpu.memory_space<hbm>> -> memref<2x2048xi32, #tpu.memory_space<hbm>>
      %dma_start3A_245 = tpu.memref_slice %arg20[%dma_start3A_242] : memref<2x!tpu.dma_semaphore, #tpu.memory_space<semaphore_mem>> -> memref<1x!tpu.dma_semaphore, #tpu.memory_space<semaphore_mem>>
      %dma_start3A_246 = tpu.memref_squeeze %dma_start3A_245 : memref<1x!tpu.dma_semaphore, #tpu.memory_space<semaphore_mem>> -> memref<!tpu.dma_semaphore, #tpu.memory_space<semaphore_mem>>
      %dma_start3A_247 = arith.constant 0 : i32
      %dma_start3A_248 = tpu.memref_slice %arg3[%dma_start3A_247, %mul3A_241] : memref<2x6400000xi32, #tpu.memory_space<hbm>> -> memref<2x2048xi32, #tpu.memory_space<hbm>>
      tpu.enqueue_dma source(%dma_start3A_248 : memref<2x2048xi32, #tpu.memory_space<hbm>>) target(%arg8 : memref<2x2048xi32, #tpu.memory_space<vmem>>) target_semaphore(%dma_start3A_246 : memref<!tpu.dma_semaphore, #tpu.memory_space<semaphore_mem>>)
      %dma_start3A_249 = arith.constant 0 : i32
      %dma_start3A_250 = tpu.memref_slice %arg4[%mul3A_241] : memref<6400000xf32, #tpu.memory_space<hbm>> -> memref<2048xf32, #tpu.memory_space<hbm>>
      %dma_start3A_251 = tpu.memref_slice %arg21[%dma_start3A_249] : memref<2x!tpu.dma_semaphore, #tpu.memory_space<semaphore_mem>> -> memref<1x!tpu.dma_semaphore, #tpu.memory_space<semaphore_mem>>
      %dma_start3A_252 = tpu.memref_squeeze %dma_start3A_251 : memref<1x!tpu.dma_semaphore, #tpu.memory_space<semaphore_mem>> -> memref<!tpu.dma_semaphore, #tpu.memory_space<semaphore_mem>>
      %dma_start3A_253 = tpu.memref_slice %arg4[%mul3A_241] : memref<6400000xf32, #tpu.memory_space<hbm>> -> memref<2048xf32, #tpu.memory_space<hbm>>
      tpu.enqueue_dma source(%dma_start3A_253 : memref<2048xf32, #tpu.memory_space<hbm>>) target(%arg14 : memref<2048xf32, #tpu.memory_space<vmem>>) target_semaphore(%dma_start3A_252 : memref<!tpu.dma_semaphore, #tpu.memory_space<semaphore_mem>>)
      %mul3A_254 = arith.constant 2 : i32
      %mul3A_255 = arith.muli %mul3A_254, %scan3A_172 : i32
      %add3A_256 = arith.constant 1 : i32
      %add3A_257 = arith.addi %mul3A_255, %add3A_256 : i32
      %add3A_258 = arith.constant 1 : i32
      %add3A_259 = arith.addi %add3A_257, %add3A_258 : i32
      %mul3A_260 = arith.constant 32 : i32
      %mul3A_261 = arith.muli %mul3A_260, %add3A_259 : i32
      %add3A_262 = arith.addi %add3A, %mul3A_261 : i32
      %lt3A_263 = arith.constant 3125 : i32
      %lt3A_264 = arith.cmpi slt, %add3A_262, %lt3A_263 : i32
      %jit3A_265 = arith.constant 0 : i32
      %select_n3A_266 = arith.select %lt3A_264, %add3A_262, %jit3A_265 : i32
      %mul3A_267 = arith.constant 2048 : i32
      %mul3A_268 = arith.muli %select_n3A_266, %mul3A_267 : i32
      %dma_wait3A_269 = arith.constant 0 : i32
      %dma_wait3A_270 = arith.constant 0 : i32
      %dma_wait3A_271 = tpu.memref_slice %arg3[%dma_wait3A_270, %mul3A_268] : memref<2x6400000xi32, #tpu.memory_space<hbm>> -> memref<2x2048xi32, #tpu.memory_space<hbm>>
      %dma_wait3A_272 = tpu.memref_slice %arg20[%dma_wait3A_269] : memref<2x!tpu.dma_semaphore, #tpu.memory_space<semaphore_mem>> -> memref<1x!tpu.dma_semaphore, #tpu.memory_space<semaphore_mem>>
      %dma_wait3A_273 = tpu.memref_squeeze %dma_wait3A_272 : memref<1x!tpu.dma_semaphore, #tpu.memory_space<semaphore_mem>> -> memref<!tpu.dma_semaphore, #tpu.memory_space<semaphore_mem>>
      %dma_wait3A_274 = arith.constant 0 : i32
      %dma_wait3A_275 = tpu.memref_slice %arg3[%dma_wait3A_274, %mul3A_268] : memref<2x6400000xi32, #tpu.memory_space<hbm>> -> memref<2x2048xi32, #tpu.memory_space<hbm>>
      tpu.wait_dma2 semaphore(%dma_wait3A_273 : memref<!tpu.dma_semaphore, #tpu.memory_space<semaphore_mem>>) src(%dma_wait3A_275 : memref<2x2048xi32, #tpu.memory_space<hbm>>) dst(%arg8 : memref<2x2048xi32, #tpu.memory_space<vmem>>)
      %dma_wait3A_276 = arith.constant 0 : i32
      %dma_wait3A_277 = tpu.memref_slice %arg4[%mul3A_268] : memref<6400000xf32, #tpu.memory_space<hbm>> -> memref<2048xf32, #tpu.memory_space<hbm>>
      %dma_wait3A_278 = tpu.memref_slice %arg21[%dma_wait3A_276] : memref<2x!tpu.dma_semaphore, #tpu.memory_space<semaphore_mem>> -> memref<1x!tpu.dma_semaphore, #tpu.memory_space<semaphore_mem>>
      %dma_wait3A_279 = tpu.memref_squeeze %dma_wait3A_278 : memref<1x!tpu.dma_semaphore, #tpu.memory_space<semaphore_mem>> -> memref<!tpu.dma_semaphore, #tpu.memory_space<semaphore_mem>>
      %dma_wait3A_280 = tpu.memref_slice %arg4[%mul3A_268] : memref<6400000xf32, #tpu.memory_space<hbm>> -> memref<2048xf32, #tpu.memory_space<hbm>>
      tpu.wait_dma2 semaphore(%dma_wait3A_279 : memref<!tpu.dma_semaphore, #tpu.memory_space<semaphore_mem>>) src(%dma_wait3A_280 : memref<2048xf32, #tpu.memory_space<hbm>>) dst(%arg14 : memref<2048xf32, #tpu.memory_space<vmem>>)
      %scan3A_281 = arith.constant 0 : i32
      %scan3A_282 = arith.constant 0 : i32
      %scan3A_283 = arith.constant 32 : i32
      %scan3A_284 = arith.addi %scan3A_282, %scan3A_283 : i32
      %scan3A_285 = arith.constant 1 : i32
      scf.for %scan3A_336 = %scan3A_282 to %scan3A_284 step %scan3A_285  : i32 {
        %mul3A_337 = arith.constant 64 : i32
        %mul3A_338 = arith.muli %scan3A_336, %mul3A_337 : i32
        %add3A_339 = arith.constant 0 : i32
        %add3A_340 = arith.addi %mul3A_338, %add3A_339 : i32
        %get3A = arith.constant 0 : i32
        %get3A_341 = arith.index_cast %get3A : i32 to index
        %get3A_342 = arith.index_cast %add3A_340 : i32 to index
        %get3A_343 = tpu.vector_load %arg8[%get3A_341, %get3A_342] {strides = array<i32>} : memref<2x2048xi32, #tpu.memory_space<vmem>>, vector<1x16xi32>,
        %get3A_344 = vector.shape_cast %get3A_343 : vector<1x16xi32> to vector<16xi32>
        %swap3A = arith.index_cast %add3A_340 : i32 to index
        %swap3A_345 = tpu.vector_load %arg10[%swap3A] {strides = array<i32>} : memref<2048xi32, #tpu.memory_space<vmem>>, vector<16xi32>,
        %swap3A_346 = vector.shape_cast %swap3A_345 : vector<16xi32> to vector<16xi32>
        %swap3A_347 = vector.shape_cast %get3A_344 : vector<16xi32> to vector<16xi32>
        tpu.vector_store %arg10[%swap3A], %swap3A_347 {strides = array<i32>} : memref<2048xi32, #tpu.memory_space<vmem>>, vector<16xi32>,
        %mul3A_348 = arith.constant 64 : i32
        %mul3A_349 = arith.muli %scan3A_336, %mul3A_348 : i32
        %add3A_350 = arith.constant 16 : i32
        %add3A_351 = arith.addi %mul3A_349, %add3A_350 : i32
        %get3A_352 = arith.constant 0 : i32
        %get3A_353 = arith.index_cast %get3A_352 : i32 to index
        %get3A_354 = arith.index_cast %add3A_351 : i32 to index
        %get3A_355 = tpu.vector_load %arg8[%get3A_353, %get3A_354] {strides = array<i32>} : memref<2x2048xi32, #tpu.memory_space<vmem>>, vector<1x16xi32>,
        %get3A_356 = vector.shape_cast %get3A_355 : vector<1x16xi32> to vector<16xi32>
        %swap3A_357 = arith.index_cast %add3A_351 : i32 to index
        %swap3A_358 = tpu.vector_load %arg10[%swap3A_357] {strides = array<i32>} : memref<2048xi32, #tpu.memory_space<vmem>>, vector<16xi32>,
        %swap3A_359 = vector.shape_cast %swap3A_358 : vector<16xi32> to vector<16xi32>
        %swap3A_360 = vector.shape_cast %get3A_356 : vector<16xi32> to vector<16xi32>
        tpu.vector_store %arg10[%swap3A_357], %swap3A_360 {strides = array<i32>} : memref<2048xi32, #tpu.memory_space<vmem>>, vector<16xi32>,
        %mul3A_361 = arith.constant 64 : i32
        %mul3A_362 = arith.muli %scan3A_336, %mul3A_361 : i32
        %add3A_363 = arith.constant 32 : i32
        %add3A_364 = arith.addi %mul3A_362, %add3A_363 : i32
        %get3A_365 = arith.constant 0 : i32
        %get3A_366 = arith.index_cast %get3A_365 : i32 to index
        %get3A_367 = arith.index_cast %add3A_364 : i32 to index
        %get3A_368 = tpu.vector_load %arg8[%get3A_366, %get3A_367] {strides = array<i32>} : memref<2x2048xi32, #tpu.memory_space<vmem>>, vector<1x16xi32>,
        %get3A_369 = vector.shape_cast %get3A_368 : vector<1x16xi32> to vector<16xi32>
        %swap3A_370 = arith.index_cast %add3A_364 : i32 to index
        %swap3A_371 = tpu.vector_load %arg10[%swap3A_370] {strides = array<i32>} : memref<2048xi32, #tpu.memory_space<vmem>>, vector<16xi32>,
        %swap3A_372 = vector.shape_cast %swap3A_371 : vector<16xi32> to vector<16xi32>
        %swap3A_373 = vector.shape_cast %get3A_369 : vector<16xi32> to vector<16xi32>
        tpu.vector_store %arg10[%swap3A_370], %swap3A_373 {strides = array<i32>} : memref<2048xi32, #tpu.memory_space<vmem>>, vector<16xi32>,
        %mul3A_374 = arith.constant 64 : i32
        %mul3A_375 = arith.muli %scan3A_336, %mul3A_374 : i32
        %add3A_376 = arith.constant 48 : i32
        %add3A_377 = arith.addi %mul3A_375, %add3A_376 : i32
        %get3A_378 = arith.constant 0 : i32
        %get3A_379 = arith.index_cast %get3A_378 : i32 to index
        %get3A_380 = arith.index_cast %add3A_377 : i32 to index
        %get3A_381 = tpu.vector_load %arg8[%get3A_379, %get3A_380] {strides = array<i32>} : memref<2x2048xi32, #tpu.memory_space<vmem>>, vector<1x16xi32>,
        %get3A_382 = vector.shape_cast %get3A_381 : vector<1x16xi32> to vector<16xi32>
        %swap3A_383 = arith.index_cast %add3A_377 : i32 to index
        %swap3A_384 = tpu.vector_load %arg10[%swap3A_383] {strides = array<i32>} : memref<2048xi32, #tpu.memory_space<vmem>>, vector<16xi32>,
        %swap3A_385 = vector.shape_cast %swap3A_384 : vector<16xi32> to vector<16xi32>
        %swap3A_386 = vector.shape_cast %get3A_382 : vector<16xi32> to vector<16xi32>
        tpu.vector_store %arg10[%swap3A_383], %swap3A_386 {strides = array<i32>} : memref<2048xi32, #tpu.memory_space<vmem>>, vector<16xi32>,
      }
      %scan3A_286 = arith.constant 32 : i32
      %dma_start3A_287 = arith.constant 0 : i32
      %dma_start3A_288 = arith.constant 0 : i32
      %dma_start3A_289 = tpu.memref_slice %arg7[%dma_start3A_288] : memref<100000xf32, #tpu.memory_space<vmem_shared>> -> memref<100000xf32, #tpu.memory_space<vmem_shared>>
      %dma_start3A_290 = tpu.memref_slice %arg22[%dma_start3A_287] : memref<2x!tpu.dma_semaphore, #tpu.memory_space<semaphore_mem>> -> memref<1x!tpu.dma_semaphore, #tpu.memory_space<semaphore_mem>>
      %dma_start3A_291 = tpu.memref_squeeze %dma_start3A_290 : memref<1x!tpu.dma_semaphore, #tpu.memory_space<semaphore_mem>> -> memref<!tpu.dma_semaphore, #tpu.memory_space<semaphore_mem>>
      tpu.enqueue_indirect_dma source(%dma_start3A_289 : memref<100000xf32, #tpu.memory_space<vmem_shared>>) target(%arg16 : memref<2048xf32, #tpu.memory_space<vmem>>) offsets(%arg10 : memref<2048xi32, #tpu.memory_space<vmem>>) semaphore(%dma_start3A_291 : memref<!tpu.dma_semaphore, #tpu.memory_space<semaphore_mem>>)
      %dma_wait3A_292 = arith.constant 1 : i32
      %dma_wait3A_293 = arith.constant 0 : i32
      %dma_wait3A_294 = tpu.memref_slice %arg7[%dma_wait3A_293] : memref<100000xf32, #tpu.memory_space<vmem_shared>> -> memref<100000xf32, #tpu.memory_space<vmem_shared>>
      %dma_wait3A_295 = tpu.memref_slice %arg22[%dma_wait3A_292] : memref<2x!tpu.dma_semaphore, #tpu.memory_space<semaphore_mem>> -> memref<1x!tpu.dma_semaphore, #tpu.memory_space<semaphore_mem>>
      %dma_wait3A_296 = tpu.memref_squeeze %dma_wait3A_295 : memref<1x!tpu.dma_semaphore, #tpu.memory_space<semaphore_mem>> -> memref<!tpu.dma_semaphore, #tpu.memory_space<semaphore_mem>>
      tpu.wait_indirect_dma semaphore(%dma_wait3A_296 : memref<!tpu.dma_semaphore, #tpu.memory_space<semaphore_mem>>) src(%dma_wait3A_294 : memref<100000xf32, #tpu.memory_space<vmem_shared>>) dst(%arg17 : memref<2048xf32, #tpu.memory_space<vmem>>)
      %scan3A_297 = arith.constant 0 : i32
      %scan3A_298 = arith.constant 0 : i32
      %scan3A_299 = arith.constant 32 : i32
      %scan3A_300 = arith.addi %scan3A_298, %scan3A_299 : i32
      %scan3A_301 = arith.constant 1 : i32
      scf.for %scan3A_336 = %scan3A_298 to %scan3A_300 step %scan3A_301  : i32 {
        %mul3A_337 = arith.constant 64 : i32
        %mul3A_338 = arith.muli %scan3A_336, %mul3A_337 : i32
        %add3A_339 = arith.constant 0 : i32
        %add3A_340 = arith.addi %mul3A_338, %add3A_339 : i32
        %get3A = arith.index_cast %add3A_340 : i32 to index
        %get3A_341 = tpu.vector_load %arg17[%get3A] {strides = array<i32>} : memref<2048xf32, #tpu.memory_space<vmem>>, vector<16xf32>,
        %get3A_342 = vector.shape_cast %get3A_341 : vector<16xf32> to vector<16xf32>
        %get3A_343 = arith.index_cast %add3A_340 : i32 to index
        %get3A_344 = tpu.vector_load %arg15[%get3A_343] {strides = array<i32>} : memref<2048xf32, #tpu.memory_space<vmem>>, vector<16xf32>,
        %get3A_345 = vector.shape_cast %get3A_344 : vector<16xf32> to vector<16xf32>
        %mul3A_346 = arith.mulf %get3A_342, %get3A_345 : vector<16xf32>
        %swap3A = arith.index_cast %add3A_340 : i32 to index
        %swap3A_347 = tpu.vector_load %arg19[%swap3A] {strides = array<i32>} : memref<2048xf32, #tpu.memory_space<vmem>>, vector<16xf32>,
        %swap3A_348 = vector.shape_cast %swap3A_347 : vector<16xf32> to vector<16xf32>
        %swap3A_349 = vector.shape_cast %mul3A_346 : vector<16xf32> to vector<16xf32>
        tpu.vector_store %arg19[%swap3A], %swap3A_349 {strides = array<i32>} : memref<2048xf32, #tpu.memory_space<vmem>>, vector<16xf32>,
        %get3A_350 = arith.constant 1 : i32
        %get3A_351 = arith.index_cast %get3A_350 : i32 to index
        %get3A_352 = arith.index_cast %add3A_340 : i32 to index
        %get3A_353 = tpu.vector_load %arg9[%get3A_351, %get3A_352] {strides = array<i32>} : memref<2x2048xi32, #tpu.memory_space<vmem>>, vector<1x16xi32>,
        %get3A_354 = vector.shape_cast %get3A_353 : vector<1x16xi32> to vector<16xi32>
        %swap3A_355 = arith.index_cast %add3A_340 : i32 to index
        %swap3A_356 = tpu.vector_load %arg13[%swap3A_355] {strides = array<i32>} : memref<2048xi32, #tpu.memory_space<vmem>>, vector<16xi32>,
        %swap3A_357 = vector.shape_cast %swap3A_356 : vector<16xi32> to vector<16xi32>
        %swap3A_358 = vector.shape_cast %get3A_354 : vector<16xi32> to vector<16xi32>
        tpu.vector_store %arg13[%swap3A_355], %swap3A_358 {strides = array<i32>} : memref<2048xi32, #tpu.memory_space<vmem>>, vector<16xi32>,
        %mul3A_359 = arith.constant 64 : i32
        %mul3A_360 = arith.muli %scan3A_336, %mul3A_359 : i32
        %add3A_361 = arith.constant 16 : i32
        %add3A_362 = arith.addi %mul3A_360, %add3A_361 : i32
        %get3A_363 = arith.index_cast %add3A_362 : i32 to index
        %get3A_364 = tpu.vector_load %arg17[%get3A_363] {strides = array<i32>} : memref<2048xf32, #tpu.memory_space<vmem>>, vector<16xf32>,
        %get3A_365 = vector.shape_cast %get3A_364 : vector<16xf32> to vector<16xf32>
        %get3A_366 = arith.index_cast %add3A_362 : i32 to index
        %get3A_367 = tpu.vector_load %arg15[%get3A_366] {strides = array<i32>} : memref<2048xf32, #tpu.memory_space<vmem>>, vector<16xf32>,
        %get3A_368 = vector.shape_cast %get3A_367 : vector<16xf32> to vector<16xf32>
        %mul3A_369 = arith.mulf %get3A_365, %get3A_368 : vector<16xf32>
        %swap3A_370 = arith.index_cast %add3A_362 : i32 to index
        %swap3A_371 = tpu.vector_load %arg19[%swap3A_370] {strides = array<i32>} : memref<2048xf32, #tpu.memory_space<vmem>>, vector<16xf32>,
        %swap3A_372 = vector.shape_cast %swap3A_371 : vector<16xf32> to vector<16xf32>
        %swap3A_373 = vector.shape_cast %mul3A_369 : vector<16xf32> to vector<16xf32>
        tpu.vector_store %arg19[%swap3A_370], %swap3A_373 {strides = array<i32>} : memref<2048xf32, #tpu.memory_space<vmem>>, vector<16xf32>,
        %get3A_374 = arith.constant 1 : i32
        %get3A_375 = arith.index_cast %get3A_374 : i32 to index
        %get3A_376 = arith.index_cast %add3A_362 : i32 to index
        %get3A_377 = tpu.vector_load %arg9[%get3A_375, %get3A_376] {strides = array<i32>} : memref<2x2048xi32, #tpu.memory_space<vmem>>, vector<1x16xi32>,
        %get3A_378 = vector.shape_cast %get3A_377 : vector<1x16xi32> to vector<16xi32>
        %swap3A_379 = arith.index_cast %add3A_362 : i32 to index
        %swap3A_380 = tpu.vector_load %arg13[%swap3A_379] {strides = array<i32>} : memref<2048xi32, #tpu.memory_space<vmem>>, vector<16xi32>,
        %swap3A_381 = vector.shape_cast %swap3A_380 : vector<16xi32> to vector<16xi32>
        %swap3A_382 = vector.shape_cast %get3A_378 : vector<16xi32> to vector<16xi32>
        tpu.vector_store %arg13[%swap3A_379], %swap3A_382 {strides = array<i32>} : memref<2048xi32, #tpu.memory_space<vmem>>, vector<16xi32>,
        %mul3A_383 = arith.constant 64 : i32
        %mul3A_384 = arith.muli %scan3A_336, %mul3A_383 : i32
        %add3A_385 = arith.constant 32 : i32
        %add3A_386 = arith.addi %mul3A_384, %add3A_385 : i32
        %get3A_387 = arith.index_cast %add3A_386 : i32 to index
        %get3A_388 = tpu.vector_load %arg17[%get3A_387] {strides = array<i32>} : memref<2048xf32, #tpu.memory_space<vmem>>, vector<16xf32>,
        %get3A_389 = vector.shape_cast %get3A_388 : vector<16xf32> to vector<16xf32>
        %get3A_390 = arith.index_cast %add3A_386 : i32 to index
        %get3A_391 = tpu.vector_load %arg15[%get3A_390] {strides = array<i32>} : memref<2048xf32, #tpu.memory_space<vmem>>, vector<16xf32>,
        %get3A_392 = vector.shape_cast %get3A_391 : vector<16xf32> to vector<16xf32>
        %mul3A_393 = arith.mulf %get3A_389, %get3A_392 : vector<16xf32>
        %swap3A_394 = arith.index_cast %add3A_386 : i32 to index
        %swap3A_395 = tpu.vector_load %arg19[%swap3A_394] {strides = array<i32>} : memref<2048xf32, #tpu.memory_space<vmem>>, vector<16xf32>,
        %swap3A_396 = vector.shape_cast %swap3A_395 : vector<16xf32> to vector<16xf32>
        %swap3A_397 = vector.shape_cast %mul3A_393 : vector<16xf32> to vector<16xf32>
        tpu.vector_store %arg19[%swap3A_394], %swap3A_397 {strides = array<i32>} : memref<2048xf32, #tpu.memory_space<vmem>>, vector<16xf32>,
        %get3A_398 = arith.constant 1 : i32
        %get3A_399 = arith.index_cast %get3A_398 : i32 to index
        %get3A_400 = arith.index_cast %add3A_386 : i32 to index
        %get3A_401 = tpu.vector_load %arg9[%get3A_399, %get3A_400] {strides = array<i32>} : memref<2x2048xi32, #tpu.memory_space<vmem>>, vector<1x16xi32>,
        %get3A_402 = vector.shape_cast %get3A_401 : vector<1x16xi32> to vector<16xi32>
        %swap3A_403 = arith.index_cast %add3A_386 : i32 to index
        %swap3A_404 = tpu.vector_load %arg13[%swap3A_403] {strides = array<i32>} : memref<2048xi32, #tpu.memory_space<vmem>>, vector<16xi32>,
        %swap3A_405 = vector.shape_cast %swap3A_404 : vector<16xi32> to vector<16xi32>
        %swap3A_406 = vector.shape_cast %get3A_402 : vector<16xi32> to vector<16xi32>
        tpu.vector_store %arg13[%swap3A_403], %swap3A_406 {strides = array<i32>} : memref<2048xi32, #tpu.memory_space<vmem>>, vector<16xi32>,
        %mul3A_407 = arith.constant 64 : i32
        %mul3A_408 = arith.muli %scan3A_336, %mul3A_407 : i32
        %add3A_409 = arith.constant 48 : i32
        %add3A_410 = arith.addi %mul3A_408, %add3A_409 : i32
        %get3A_411 = arith.index_cast %add3A_410 : i32 to index
        %get3A_412 = tpu.vector_load %arg17[%get3A_411] {strides = array<i32>} : memref<2048xf32, #tpu.memory_space<vmem>>, vector<16xf32>,
        %get3A_413 = vector.shape_cast %get3A_412 : vector<16xf32> to vector<16xf32>
        %get3A_414 = arith.index_cast %add3A_410 : i32 to index
        %get3A_415 = tpu.vector_load %arg15[%get3A_414] {strides = array<i32>} : memref<2048xf32, #tpu.memory_space<vmem>>, vector<16xf32>,
        %get3A_416 = vector.shape_cast %get3A_415 : vector<16xf32> to vector<16xf32>
        %mul3A_417 = arith.mulf %get3A_413, %get3A_416 : vector<16xf32>
        %swap3A_418 = arith.index_cast %add3A_410 : i32 to index
        %swap3A_419 = tpu.vector_load %arg19[%swap3A_418] {strides = array<i32>} : memref<2048xf32, #tpu.memory_space<vmem>>, vector<16xf32>,
        %swap3A_420 = vector.shape_cast %swap3A_419 : vector<16xf32> to vector<16xf32>
        %swap3A_421 = vector.shape_cast %mul3A_417 : vector<16xf32> to vector<16xf32>
        tpu.vector_store %arg19[%swap3A_418], %swap3A_421 {strides = array<i32>} : memref<2048xf32, #tpu.memory_space<vmem>>, vector<16xf32>,
        %get3A_422 = arith.constant 1 : i32
        %get3A_423 = arith.index_cast %get3A_422 : i32 to index
        %get3A_424 = arith.index_cast %add3A_410 : i32 to index
        %get3A_425 = tpu.vector_load %arg9[%get3A_423, %get3A_424] {strides = array<i32>} : memref<2x2048xi32, #tpu.memory_space<vmem>>, vector<1x16xi32>,
        %get3A_426 = vector.shape_cast %get3A_425 : vector<1x16xi32> to vector<16xi32>
        %swap3A_427 = arith.index_cast %add3A_410 : i32 to index
        %swap3A_428 = tpu.vector_load %arg13[%swap3A_427] {strides = array<i32>} : memref<2048xi32, #tpu.memory_space<vmem>>, vector<16xi32>,
        %swap3A_429 = vector.shape_cast %swap3A_428 : vector<16xi32> to vector<16xi32>
        %swap3A_430 = vector.shape_cast %get3A_426 : vector<16xi32> to vector<16xi32>
        tpu.vector_store %arg13[%swap3A_427], %swap3A_430 {strides = array<i32>} : memref<2048xi32, #tpu.memory_space<vmem>>, vector<16xi32>,
      }
      %scan3A_302 = arith.constant 32 : i32
      %dma_start3A_303 = arith.constant 1 : i32
      %dma_start3A_304 = arith.constant 0 : i32
      %dma_start3A_305 = tpu.memref_slice %arg6[%dma_start3A_304] : memref<100096xf32, #tpu.memory_space<vmem_shared>> -> memref<100096xf32, #tpu.memory_space<vmem_shared>>
      %dma_start3A_306 = tpu.memref_slice %arg23[%dma_start3A_303] : memref<2x!tpu.dma_semaphore, #tpu.memory_space<semaphore_mem>> -> memref<1x!tpu.dma_semaphore, #tpu.memory_space<semaphore_mem>>
      %dma_start3A_307 = tpu.memref_squeeze %dma_start3A_306 : memref<1x!tpu.dma_semaphore, #tpu.memory_space<semaphore_mem>> -> memref<!tpu.dma_semaphore, #tpu.memory_space<semaphore_mem>>
      tpu.enqueue_indirect_dma source(%arg19 : memref<2048xf32, #tpu.memory_space<vmem>>) target(%dma_start3A_305 : memref<100096xf32, #tpu.memory_space<vmem_shared>>) offsets(%arg13 : memref<2048xi32, #tpu.memory_space<vmem>>) semaphore(%dma_start3A_307 : memref<!tpu.dma_semaphore, #tpu.memory_space<semaphore_mem>>) {add = true}
      %dma_wait3A_308 = arith.constant 0 : i32
      %dma_wait3A_309 = arith.constant 0 : i32
      %dma_wait3A_310 = tpu.memref_slice %arg6[%dma_wait3A_309] : memref<100096xf32, #tpu.memory_space<vmem_shared>> -> memref<100096xf32, #tpu.memory_space<vmem_shared>>
      %dma_wait3A_311 = tpu.memref_slice %arg23[%dma_wait3A_308] : memref<2x!tpu.dma_semaphore, #tpu.memory_space<semaphore_mem>> -> memref<1x!tpu.dma_semaphore, #tpu.memory_space<semaphore_mem>>
      %dma_wait3A_312 = tpu.memref_squeeze %dma_wait3A_311 : memref<1x!tpu.dma_semaphore, #tpu.memory_space<semaphore_mem>> -> memref<!tpu.dma_semaphore, #tpu.memory_space<semaphore_mem>>
      tpu.wait_indirect_dma semaphore(%dma_wait3A_312 : memref<!tpu.dma_semaphore, #tpu.memory_space<semaphore_mem>>) src(%arg18 : memref<2048xf32, #tpu.memory_space<vmem>>) dst(%dma_wait3A_310 : memref<100096xf32, #tpu.memory_space<vmem_shared>>)
      %add3A_313 = arith.constant 2 : i32
      %add3A_314 = arith.addi %add3A_257, %add3A_313 : i32
      %mul3A_315 = arith.constant 32 : i32
      %mul3A_316 = arith.muli %mul3A_315, %add3A_314 : i32
      %add3A_317 = arith.addi %add3A, %mul3A_316 : i32
      %lt3A_318 = arith.constant 3125 : i32
      %lt3A_319 = arith.cmpi slt, %add3A_317, %lt3A_318 : i32
      %jit3A_320 = arith.constant 0 : i32
      %select_n3A_321 = arith.select %lt3A_319, %add3A_317, %jit3A_320 : i32
      %mul3A_322 = arith.constant 2048 : i32
      %mul3A_323 = arith.muli %select_n3A_321, %mul3A_322 : i32
      %dma_start3A_324 = arith.constant 1 : i32
      %dma_start3A_325 = arith.constant 0 : i32
      %dma_start3A_326 = tpu.memref_slice %arg3[%dma_start3A_325, %mul3A_323] : memref<2x6400000xi32, #tpu.memory_space<hbm>> -> memref<2x2048xi32, #tpu.memory_space<hbm>>
      %dma_start3A_327 = tpu.memref_slice %arg20[%dma_start3A_324] : memref<2x!tpu.dma_semaphore, #tpu.memory_space<semaphore_mem>> -> memref<1x!tpu.dma_semaphore, #tpu.memory_space<semaphore_mem>>
      %dma_start3A_328 = tpu.memref_squeeze %dma_start3A_327 : memref<1x!tpu.dma_semaphore, #tpu.memory_space<semaphore_mem>> -> memref<!tpu.dma_semaphore, #tpu.memory_space<semaphore_mem>>
      %dma_start3A_329 = arith.constant 0 : i32
      %dma_start3A_330 = tpu.memref_slice %arg3[%dma_start3A_329, %mul3A_323] : memref<2x6400000xi32, #tpu.memory_space<hbm>> -> memref<2x2048xi32, #tpu.memory_space<hbm>>
      tpu.enqueue_dma source(%dma_start3A_330 : memref<2x2048xi32, #tpu.memory_space<hbm>>) target(%arg9 : memref<2x2048xi32, #tpu.memory_space<vmem>>) target_semaphore(%dma_start3A_328 : memref<!tpu.dma_semaphore, #tpu.memory_space<semaphore_mem>>)
      %dma_start3A_331 = arith.constant 1 : i32
      %dma_start3A_332 = tpu.memref_slice %arg4[%mul3A_323] : memref<6400000xf32, #tpu.memory_space<hbm>> -> memref<2048xf32, #tpu.memory_space<hbm>>
      %dma_start3A_333 = tpu.memref_slice %arg21[%dma_start3A_331] : memref<2x!tpu.dma_semaphore, #tpu.memory_space<semaphore_mem>> -> memref<1x!tpu.dma_semaphore, #tpu.memory_space<semaphore_mem>>
      %dma_start3A_334 = tpu.memref_squeeze %dma_start3A_333 : memref<1x!tpu.dma_semaphore, #tpu.memory_space<semaphore_mem>> -> memref<!tpu.dma_semaphore, #tpu.memory_space<semaphore_mem>>
      %dma_start3A_335 = tpu.memref_slice %arg4[%mul3A_323] : memref<6400000xf32, #tpu.memory_space<hbm>> -> memref<2048xf32, #tpu.memory_space<hbm>>
      tpu.enqueue_dma source(%dma_start3A_335 : memref<2048xf32, #tpu.memory_space<hbm>>) target(%arg15 : memref<2048xf32, #tpu.memory_space<vmem>>) target_semaphore(%dma_start3A_334 : memref<!tpu.dma_semaphore, #tpu.memory_space<semaphore_mem>>)
    }
    %scan3A_87 = arith.constant 48 : i32
    %add3A_88 = arith.constant 3104 : i32
    %add3A_89 = arith.addi %add3A, %add3A_88 : i32
    %lt3A_90 = arith.constant 3125 : i32
    %lt3A_91 = arith.cmpi slt, %add3A_89, %lt3A_90 : i32
    %add3A_92 = arith.constant 3104 : i32
    %add3A_93 = arith.addi %add3A, %add3A_92 : i32
    %lt3A_94 = arith.constant 3125 : i32
    %lt3A_95 = arith.cmpi slt, %add3A_93, %lt3A_94 : i32
    %jit3A_96 = arith.constant 0 : i32
    %select_n3A_97 = arith.select %lt3A_95, %add3A_93, %jit3A_96 : i32
    %mul3A_98 = arith.constant 2048 : i32
    %mul3A_99 = arith.muli %select_n3A_97, %mul3A_98 : i32
    %dma_wait3A_100 = arith.constant 1 : i32
    %dma_wait3A_101 = arith.constant 0 : i32
    %dma_wait3A_102 = tpu.memref_slice %arg3[%dma_wait3A_101, %mul3A_99] : memref<2x6400000xi32, #tpu.memory_space<hbm>> -> memref<2x2048xi32, #tpu.memory_space<hbm>>
    %dma_wait3A_103 = tpu.memref_slice %arg20[%dma_wait3A_100] : memref<2x!tpu.dma_semaphore, #tpu.memory_space<semaphore_mem>> -> memref<1x!tpu.dma_semaphore, #tpu.memory_space<semaphore_mem>>
    %dma_wait3A_104 = tpu.memref_squeeze %dma_wait3A_103 : memref<1x!tpu.dma_semaphore, #tpu.memory_space<semaphore_mem>> -> memref<!tpu.dma_semaphore, #tpu.memory_space<semaphore_mem>>
    %dma_wait3A_105 = arith.constant 0 : i32
    %dma_wait3A_106 = tpu.memref_slice %arg3[%dma_wait3A_105, %mul3A_99] : memref<2x6400000xi32, #tpu.memory_space<hbm>> -> memref<2x2048xi32, #tpu.memory_space<hbm>>
    tpu.wait_dma2 semaphore(%dma_wait3A_104 : memref<!tpu.dma_semaphore, #tpu.memory_space<semaphore_mem>>) src(%dma_wait3A_106 : memref<2x2048xi32, #tpu.memory_space<hbm>>) dst(%arg9 : memref<2x2048xi32, #tpu.memory_space<vmem>>)
    %dma_wait3A_107 = arith.constant 1 : i32
    %dma_wait3A_108 = tpu.memref_slice %arg4[%mul3A_99] : memref<6400000xf32, #tpu.memory_space<hbm>> -> memref<2048xf32, #tpu.memory_space<hbm>>
    %dma_wait3A_109 = tpu.memref_slice %arg21[%dma_wait3A_107] : memref<2x!tpu.dma_semaphore, #tpu.memory_space<semaphore_mem>> -> memref<1x!tpu.dma_semaphore, #tpu.memory_space<semaphore_mem>>
    %dma_wait3A_110 = tpu.memref_squeeze %dma_wait3A_109 : memref<1x!tpu.dma_semaphore, #tpu.memory_space<semaphore_mem>> -> memref<!tpu.dma_semaphore, #tpu.memory_space<semaphore_mem>>
    %dma_wait3A_111 = tpu.memref_slice %arg4[%mul3A_99] : memref<6400000xf32, #tpu.memory_space<hbm>> -> memref<2048xf32, #tpu.memory_space<hbm>>
    tpu.wait_dma2 semaphore(%dma_wait3A_110 : memref<!tpu.dma_semaphore, #tpu.memory_space<semaphore_mem>>) src(%dma_wait3A_111 : memref<2048xf32, #tpu.memory_space<hbm>>) dst(%arg15 : memref<2048xf32, #tpu.memory_space<vmem>>)
    %scan3A_112 = arith.constant 0 : i32
    %scan3A_113 = arith.constant 0 : i32
    %scan3A_114 = arith.constant 32 : i32
    %scan3A_115 = arith.addi %scan3A_113, %scan3A_114 : i32
    %scan3A_116 = arith.constant 1 : i32
    scf.for %scan3A_172 = %scan3A_113 to %scan3A_115 step %scan3A_116  : i32 {
      %mul3A_173 = arith.constant 64 : i32
      %mul3A_174 = arith.muli %scan3A_172, %mul3A_173 : i32
      %add3A_175 = arith.constant 0 : i32
      %add3A_176 = arith.addi %mul3A_174, %add3A_175 : i32
      %get3A = arith.constant 0 : i32
      %get3A_177 = arith.index_cast %get3A : i32 to index
      %get3A_178 = arith.index_cast %add3A_176 : i32 to index
      %get3A_179 = tpu.vector_load %arg9[%get3A_177, %get3A_178] {strides = array<i32>} : memref<2x2048xi32, #tpu.memory_space<vmem>>, vector<1x16xi32>,
      %get3A_180 = vector.shape_cast %get3A_179 : vector<1x16xi32> to vector<16xi32>
      %swap3A = arith.index_cast %add3A_176 : i32 to index
      %swap3A_181 = tpu.vector_load %arg11[%swap3A] {strides = array<i32>} : memref<2048xi32, #tpu.memory_space<vmem>>, vector<16xi32>,
      %swap3A_182 = vector.shape_cast %swap3A_181 : vector<16xi32> to vector<16xi32>
      %swap3A_183 = vector.shape_cast %get3A_180 : vector<16xi32> to vector<16xi32>
      tpu.vector_store %arg11[%swap3A], %swap3A_183 {strides = array<i32>} : memref<2048xi32, #tpu.memory_space<vmem>>, vector<16xi32>,
      %mul3A_184 = arith.constant 64 : i32
      %mul3A_185 = arith.muli %scan3A_172, %mul3A_184 : i32
      %add3A_186 = arith.constant 16 : i32
      %add3A_187 = arith.addi %mul3A_185, %add3A_186 : i32
      %get3A_188 = arith.constant 0 : i32
      %get3A_189 = arith.index_cast %get3A_188 : i32 to index
      %get3A_190 = arith.index_cast %add3A_187 : i32 to index
      %get3A_191 = tpu.vector_load %arg9[%get3A_189, %get3A_190] {strides = array<i32>} : memref<2x2048xi32, #tpu.memory_space<vmem>>, vector<1x16xi32>,
      %get3A_192 = vector.shape_cast %get3A_191 : vector<1x16xi32> to vector<16xi32>
      %swap3A_193 = arith.index_cast %add3A_187 : i32 to index
      %swap3A_194 = tpu.vector_load %arg11[%swap3A_193] {strides = array<i32>} : memref<2048xi32, #tpu.memory_space<vmem>>, vector<16xi32>,
      %swap3A_195 = vector.shape_cast %swap3A_194 : vector<16xi32> to vector<16xi32>
      %swap3A_196 = vector.shape_cast %get3A_192 : vector<16xi32> to vector<16xi32>
      tpu.vector_store %arg11[%swap3A_193], %swap3A_196 {strides = array<i32>} : memref<2048xi32, #tpu.memory_space<vmem>>, vector<16xi32>,
      %mul3A_197 = arith.constant 64 : i32
      %mul3A_198 = arith.muli %scan3A_172, %mul3A_197 : i32
      %add3A_199 = arith.constant 32 : i32
      %add3A_200 = arith.addi %mul3A_198, %add3A_199 : i32
      %get3A_201 = arith.constant 0 : i32
      %get3A_202 = arith.index_cast %get3A_201 : i32 to index
      %get3A_203 = arith.index_cast %add3A_200 : i32 to index
      %get3A_204 = tpu.vector_load %arg9[%get3A_202, %get3A_203] {strides = array<i32>} : memref<2x2048xi32, #tpu.memory_space<vmem>>, vector<1x16xi32>,
      %get3A_205 = vector.shape_cast %get3A_204 : vector<1x16xi32> to vector<16xi32>
      %swap3A_206 = arith.index_cast %add3A_200 : i32 to index
      %swap3A_207 = tpu.vector_load %arg11[%swap3A_206] {strides = array<i32>} : memref<2048xi32, #tpu.memory_space<vmem>>, vector<16xi32>,
      %swap3A_208 = vector.shape_cast %swap3A_207 : vector<16xi32> to vector<16xi32>
      %swap3A_209 = vector.shape_cast %get3A_205 : vector<16xi32> to vector<16xi32>
      tpu.vector_store %arg11[%swap3A_206], %swap3A_209 {strides = array<i32>} : memref<2048xi32, #tpu.memory_space<vmem>>, vector<16xi32>,
      %mul3A_210 = arith.constant 64 : i32
      %mul3A_211 = arith.muli %scan3A_172, %mul3A_210 : i32
      %add3A_212 = arith.constant 48 : i32
      %add3A_213 = arith.addi %mul3A_211, %add3A_212 : i32
      %get3A_214 = arith.constant 0 : i32
      %get3A_215 = arith.index_cast %get3A_214 : i32 to index
      %get3A_216 = arith.index_cast %add3A_213 : i32 to index
      %get3A_217 = tpu.vector_load %arg9[%get3A_215, %get3A_216] {strides = array<i32>} : memref<2x2048xi32, #tpu.memory_space<vmem>>, vector<1x16xi32>,
      %get3A_218 = vector.shape_cast %get3A_217 : vector<1x16xi32> to vector<16xi32>
      %swap3A_219 = arith.index_cast %add3A_213 : i32 to index
      %swap3A_220 = tpu.vector_load %arg11[%swap3A_219] {strides = array<i32>} : memref<2048xi32, #tpu.memory_space<vmem>>, vector<16xi32>,
      %swap3A_221 = vector.shape_cast %swap3A_220 : vector<16xi32> to vector<16xi32>
      %swap3A_222 = vector.shape_cast %get3A_218 : vector<16xi32> to vector<16xi32>
      tpu.vector_store %arg11[%swap3A_219], %swap3A_222 {strides = array<i32>} : memref<2048xi32, #tpu.memory_space<vmem>>, vector<16xi32>,
    }
    %scan3A_117 = arith.constant 32 : i32
    %dma_start3A_118 = arith.constant 1 : i32
    %dma_start3A_119 = arith.constant 0 : i32
    %dma_start3A_120 = tpu.memref_slice %arg7[%dma_start3A_119] : memref<100000xf32, #tpu.memory_space<vmem_shared>> -> memref<100000xf32, #tpu.memory_space<vmem_shared>>
    %dma_start3A_121 = tpu.memref_slice %arg22[%dma_start3A_118] : memref<2x!tpu.dma_semaphore, #tpu.memory_space<semaphore_mem>> -> memref<1x!tpu.dma_semaphore, #tpu.memory_space<semaphore_mem>>
    %dma_start3A_122 = tpu.memref_squeeze %dma_start3A_121 : memref<1x!tpu.dma_semaphore, #tpu.memory_space<semaphore_mem>> -> memref<!tpu.dma_semaphore, #tpu.memory_space<semaphore_mem>>
    tpu.enqueue_indirect_dma source(%dma_start3A_120 : memref<100000xf32, #tpu.memory_space<vmem_shared>>) target(%arg17 : memref<2048xf32, #tpu.memory_space<vmem>>) offsets(%arg11 : memref<2048xi32, #tpu.memory_space<vmem>>) semaphore(%dma_start3A_122 : memref<!tpu.dma_semaphore, #tpu.memory_space<semaphore_mem>>)
    %dma_wait3A_123 = arith.constant 0 : i32
    %dma_wait3A_124 = arith.constant 0 : i32
    %dma_wait3A_125 = tpu.memref_slice %arg7[%dma_wait3A_124] : memref<100000xf32, #tpu.memory_space<vmem_shared>> -> memref<100000xf32, #tpu.memory_space<vmem_shared>>
    %dma_wait3A_126 = tpu.memref_slice %arg22[%dma_wait3A_123] : memref<2x!tpu.dma_semaphore, #tpu.memory_space<semaphore_mem>> -> memref<1x!tpu.dma_semaphore, #tpu.memory_space<semaphore_mem>>
    %dma_wait3A_127 = tpu.memref_squeeze %dma_wait3A_126 : memref<1x!tpu.dma_semaphore, #tpu.memory_space<semaphore_mem>> -> memref<!tpu.dma_semaphore, #tpu.memory_space<semaphore_mem>>
    tpu.wait_indirect_dma semaphore(%dma_wait3A_127 : memref<!tpu.dma_semaphore, #tpu.memory_space<semaphore_mem>>) src(%dma_wait3A_125 : memref<100000xf32, #tpu.memory_space<vmem_shared>>) dst(%arg16 : memref<2048xf32, #tpu.memory_space<vmem>>)
    %scan3A_128 = arith.constant 0 : i32
    %scan3A_129 = arith.constant 0 : i32
    %scan3A_130 = arith.constant 32 : i32
    %scan3A_131 = arith.addi %scan3A_129, %scan3A_130 : i32
    %scan3A_132 = arith.constant 1 : i32
    scf.for %scan3A_172 = %scan3A_129 to %scan3A_131 step %scan3A_132  : i32 {
      %mul3A_173 = arith.constant 64 : i32
      %mul3A_174 = arith.muli %scan3A_172, %mul3A_173 : i32
      %add3A_175 = arith.constant 0 : i32
      %add3A_176 = arith.addi %mul3A_174, %add3A_175 : i32
      %get3A = arith.index_cast %add3A_176 : i32 to index
      %get3A_177 = tpu.vector_load %arg16[%get3A] {strides = array<i32>} : memref<2048xf32, #tpu.memory_space<vmem>>, vector<16xf32>,
      %get3A_178 = vector.shape_cast %get3A_177 : vector<16xf32> to vector<16xf32>
      %get3A_179 = arith.index_cast %add3A_176 : i32 to index
      %get3A_180 = tpu.vector_load %arg14[%get3A_179] {strides = array<i32>} : memref<2048xf32, #tpu.memory_space<vmem>>, vector<16xf32>,
      %get3A_181 = vector.shape_cast %get3A_180 : vector<16xf32> to vector<16xf32>
      %mul3A_182 = arith.mulf %get3A_178, %get3A_181 : vector<16xf32>
      %swap3A = arith.index_cast %add3A_176 : i32 to index
      %swap3A_183 = tpu.vector_load %arg18[%swap3A] {strides = array<i32>} : memref<2048xf32, #tpu.memory_space<vmem>>, vector<16xf32>,
      %swap3A_184 = vector.shape_cast %swap3A_183 : vector<16xf32> to vector<16xf32>
      %swap3A_185 = vector.shape_cast %mul3A_182 : vector<16xf32> to vector<16xf32>
      tpu.vector_store %arg18[%swap3A], %swap3A_185 {strides = array<i32>} : memref<2048xf32, #tpu.memory_space<vmem>>, vector<16xf32>,
      %get3A_186 = arith.constant 1 : i32
      %get3A_187 = arith.index_cast %get3A_186 : i32 to index
      %get3A_188 = arith.index_cast %add3A_176 : i32 to index
      %get3A_189 = tpu.vector_load %arg8[%get3A_187, %get3A_188] {strides = array<i32>} : memref<2x2048xi32, #tpu.memory_space<vmem>>, vector<1x16xi32>,
      %get3A_190 = vector.shape_cast %get3A_189 : vector<1x16xi32> to vector<16xi32>
      %swap3A_191 = arith.index_cast %add3A_176 : i32 to index
      %swap3A_192 = tpu.vector_load %arg12[%swap3A_191] {strides = array<i32>} : memref<2048xi32, #tpu.memory_space<vmem>>, vector<16xi32>,
      %swap3A_193 = vector.shape_cast %swap3A_192 : vector<16xi32> to vector<16xi32>
      %swap3A_194 = vector.shape_cast %get3A_190 : vector<16xi32> to vector<16xi32>
      tpu.vector_store %arg12[%swap3A_191], %swap3A_194 {strides = array<i32>} : memref<2048xi32, #tpu.memory_space<vmem>>, vector<16xi32>,
      %mul3A_195 = arith.constant 64 : i32
      %mul3A_196 = arith.muli %scan3A_172, %mul3A_195 : i32
      %add3A_197 = arith.constant 16 : i32
      %add3A_198 = arith.addi %mul3A_196, %add3A_197 : i32
      %get3A_199 = arith.index_cast %add3A_198 : i32 to index
      %get3A_200 = tpu.vector_load %arg16[%get3A_199] {strides = array<i32>} : memref<2048xf32, #tpu.memory_space<vmem>>, vector<16xf32>,
      %get3A_201 = vector.shape_cast %get3A_200 : vector<16xf32> to vector<16xf32>
      %get3A_202 = arith.index_cast %add3A_198 : i32 to index
      %get3A_203 = tpu.vector_load %arg14[%get3A_202] {strides = array<i32>} : memref<2048xf32, #tpu.memory_space<vmem>>, vector<16xf32>,
      %get3A_204 = vector.shape_cast %get3A_203 : vector<16xf32> to vector<16xf32>
      %mul3A_205 = arith.mulf %get3A_201, %get3A_204 : vector<16xf32>
      %swap3A_206 = arith.index_cast %add3A_198 : i32 to index
      %swap3A_207 = tpu.vector_load %arg18[%swap3A_206] {strides = array<i32>} : memref<2048xf32, #tpu.memory_space<vmem>>, vector<16xf32>,
      %swap3A_208 = vector.shape_cast %swap3A_207 : vector<16xf32> to vector<16xf32>
      %swap3A_209 = vector.shape_cast %mul3A_205 : vector<16xf32> to vector<16xf32>
      tpu.vector_store %arg18[%swap3A_206], %swap3A_209 {strides = array<i32>} : memref<2048xf32, #tpu.memory_space<vmem>>, vector<16xf32>,
      %get3A_210 = arith.constant 1 : i32
      %get3A_211 = arith.index_cast %get3A_210 : i32 to index
      %get3A_212 = arith.index_cast %add3A_198 : i32 to index
      %get3A_213 = tpu.vector_load %arg8[%get3A_211, %get3A_212] {strides = array<i32>} : memref<2x2048xi32, #tpu.memory_space<vmem>>, vector<1x16xi32>,
      %get3A_214 = vector.shape_cast %get3A_213 : vector<1x16xi32> to vector<16xi32>
      %swap3A_215 = arith.index_cast %add3A_198 : i32 to index
      %swap3A_216 = tpu.vector_load %arg12[%swap3A_215] {strides = array<i32>} : memref<2048xi32, #tpu.memory_space<vmem>>, vector<16xi32>,
      %swap3A_217 = vector.shape_cast %swap3A_216 : vector<16xi32> to vector<16xi32>
      %swap3A_218 = vector.shape_cast %get3A_214 : vector<16xi32> to vector<16xi32>
      tpu.vector_store %arg12[%swap3A_215], %swap3A_218 {strides = array<i32>} : memref<2048xi32, #tpu.memory_space<vmem>>, vector<16xi32>,
      %mul3A_219 = arith.constant 64 : i32
      %mul3A_220 = arith.muli %scan3A_172, %mul3A_219 : i32
      %add3A_221 = arith.constant 32 : i32
      %add3A_222 = arith.addi %mul3A_220, %add3A_221 : i32
      %get3A_223 = arith.index_cast %add3A_222 : i32 to index
      %get3A_224 = tpu.vector_load %arg16[%get3A_223] {strides = array<i32>} : memref<2048xf32, #tpu.memory_space<vmem>>, vector<16xf32>,
      %get3A_225 = vector.shape_cast %get3A_224 : vector<16xf32> to vector<16xf32>
      %get3A_226 = arith.index_cast %add3A_222 : i32 to index
      %get3A_227 = tpu.vector_load %arg14[%get3A_226] {strides = array<i32>} : memref<2048xf32, #tpu.memory_space<vmem>>, vector<16xf32>,
      %get3A_228 = vector.shape_cast %get3A_227 : vector<16xf32> to vector<16xf32>
      %mul3A_229 = arith.mulf %get3A_225, %get3A_228 : vector<16xf32>
      %swap3A_230 = arith.index_cast %add3A_222 : i32 to index
      %swap3A_231 = tpu.vector_load %arg18[%swap3A_230] {strides = array<i32>} : memref<2048xf32, #tpu.memory_space<vmem>>, vector<16xf32>,
      %swap3A_232 = vector.shape_cast %swap3A_231 : vector<16xf32> to vector<16xf32>
      %swap3A_233 = vector.shape_cast %mul3A_229 : vector<16xf32> to vector<16xf32>
      tpu.vector_store %arg18[%swap3A_230], %swap3A_233 {strides = array<i32>} : memref<2048xf32, #tpu.memory_space<vmem>>, vector<16xf32>,
      %get3A_234 = arith.constant 1 : i32
      %get3A_235 = arith.index_cast %get3A_234 : i32 to index
      %get3A_236 = arith.index_cast %add3A_222 : i32 to index
      %get3A_237 = tpu.vector_load %arg8[%get3A_235, %get3A_236] {strides = array<i32>} : memref<2x2048xi32, #tpu.memory_space<vmem>>, vector<1x16xi32>,
      %get3A_238 = vector.shape_cast %get3A_237 : vector<1x16xi32> to vector<16xi32>
      %swap3A_239 = arith.index_cast %add3A_222 : i32 to index
      %swap3A_240 = tpu.vector_load %arg12[%swap3A_239] {strides = array<i32>} : memref<2048xi32, #tpu.memory_space<vmem>>, vector<16xi32>,
      %swap3A_241 = vector.shape_cast %swap3A_240 : vector<16xi32> to vector<16xi32>
      %swap3A_242 = vector.shape_cast %get3A_238 : vector<16xi32> to vector<16xi32>
      tpu.vector_store %arg12[%swap3A_239], %swap3A_242 {strides = array<i32>} : memref<2048xi32, #tpu.memory_space<vmem>>, vector<16xi32>,
      %mul3A_243 = arith.constant 64 : i32
      %mul3A_244 = arith.muli %scan3A_172, %mul3A_243 : i32
      %add3A_245 = arith.constant 48 : i32
      %add3A_246 = arith.addi %mul3A_244, %add3A_245 : i32
      %get3A_247 = arith.index_cast %add3A_246 : i32 to index
      %get3A_248 = tpu.vector_load %arg16[%get3A_247] {strides = array<i32>} : memref<2048xf32, #tpu.memory_space<vmem>>, vector<16xf32>,
      %get3A_249 = vector.shape_cast %get3A_248 : vector<16xf32> to vector<16xf32>
      %get3A_250 = arith.index_cast %add3A_246 : i32 to index
      %get3A_251 = tpu.vector_load %arg14[%get3A_250] {strides = array<i32>} : memref<2048xf32, #tpu.memory_space<vmem>>, vector<16xf32>,
      %get3A_252 = vector.shape_cast %get3A_251 : vector<16xf32> to vector<16xf32>
      %mul3A_253 = arith.mulf %get3A_249, %get3A_252 : vector<16xf32>
      %swap3A_254 = arith.index_cast %add3A_246 : i32 to index
      %swap3A_255 = tpu.vector_load %arg18[%swap3A_254] {strides = array<i32>} : memref<2048xf32, #tpu.memory_space<vmem>>, vector<16xf32>,
      %swap3A_256 = vector.shape_cast %swap3A_255 : vector<16xf32> to vector<16xf32>
      %swap3A_257 = vector.shape_cast %mul3A_253 : vector<16xf32> to vector<16xf32>
      tpu.vector_store %arg18[%swap3A_254], %swap3A_257 {strides = array<i32>} : memref<2048xf32, #tpu.memory_space<vmem>>, vector<16xf32>,
      %get3A_258 = arith.constant 1 : i32
      %get3A_259 = arith.index_cast %get3A_258 : i32 to index
      %get3A_260 = arith.index_cast %add3A_246 : i32 to index
      %get3A_261 = tpu.vector_load %arg8[%get3A_259, %get3A_260] {strides = array<i32>} : memref<2x2048xi32, #tpu.memory_space<vmem>>, vector<1x16xi32>,
      %get3A_262 = vector.shape_cast %get3A_261 : vector<1x16xi32> to vector<16xi32>
      %swap3A_263 = arith.index_cast %add3A_246 : i32 to index
      %swap3A_264 = tpu.vector_load %arg12[%swap3A_263] {strides = array<i32>} : memref<2048xi32, #tpu.memory_space<vmem>>, vector<16xi32>,
      %swap3A_265 = vector.shape_cast %swap3A_264 : vector<16xi32> to vector<16xi32>
      %swap3A_266 = vector.shape_cast %get3A_262 : vector<16xi32> to vector<16xi32>
      tpu.vector_store %arg12[%swap3A_263], %swap3A_266 {strides = array<i32>} : memref<2048xi32, #tpu.memory_space<vmem>>, vector<16xi32>,
    }
    %scan3A_133 = arith.constant 32 : i32
    %dma_start3A_134 = arith.constant 0 : i32
    %dma_start3A_135 = arith.constant 0 : i32
    %dma_start3A_136 = tpu.memref_slice %arg6[%dma_start3A_135] : memref<100096xf32, #tpu.memory_space<vmem_shared>> -> memref<100096xf32, #tpu.memory_space<vmem_shared>>
    %dma_start3A_137 = tpu.memref_slice %arg23[%dma_start3A_134] : memref<2x!tpu.dma_semaphore, #tpu.memory_space<semaphore_mem>> -> memref<1x!tpu.dma_semaphore, #tpu.memory_space<semaphore_mem>>
    %dma_start3A_138 = tpu.memref_squeeze %dma_start3A_137 : memref<1x!tpu.dma_semaphore, #tpu.memory_space<semaphore_mem>> -> memref<!tpu.dma_semaphore, #tpu.memory_space<semaphore_mem>>
    tpu.enqueue_indirect_dma source(%arg18 : memref<2048xf32, #tpu.memory_space<vmem>>) target(%dma_start3A_136 : memref<100096xf32, #tpu.memory_space<vmem_shared>>) offsets(%arg12 : memref<2048xi32, #tpu.memory_space<vmem>>) semaphore(%dma_start3A_138 : memref<!tpu.dma_semaphore, #tpu.memory_space<semaphore_mem>>) {add = true}
    %dma_wait3A_139 = arith.constant 1 : i32
    %dma_wait3A_140 = arith.constant 0 : i32
    %dma_wait3A_141 = tpu.memref_slice %arg6[%dma_wait3A_140] : memref<100096xf32, #tpu.memory_space<vmem_shared>> -> memref<100096xf32, #tpu.memory_space<vmem_shared>>
    %dma_wait3A_142 = tpu.memref_slice %arg23[%dma_wait3A_139] : memref<2x!tpu.dma_semaphore, #tpu.memory_space<semaphore_mem>> -> memref<1x!tpu.dma_semaphore, #tpu.memory_space<semaphore_mem>>
    %dma_wait3A_143 = tpu.memref_squeeze %dma_wait3A_142 : memref<1x!tpu.dma_semaphore, #tpu.memory_space<semaphore_mem>> -> memref<!tpu.dma_semaphore, #tpu.memory_space<semaphore_mem>>
    tpu.wait_indirect_dma semaphore(%dma_wait3A_143 : memref<!tpu.dma_semaphore, #tpu.memory_space<semaphore_mem>>) src(%arg19 : memref<2048xf32, #tpu.memory_space<vmem>>) dst(%dma_wait3A_141 : memref<100096xf32, #tpu.memory_space<vmem_shared>>)
    %dma_wait3A_144 = arith.constant 1 : i32
    %dma_wait3A_145 = arith.constant 0 : i32
    %dma_wait3A_146 = tpu.memref_slice %arg7[%dma_wait3A_145] : memref<100000xf32, #tpu.memory_space<vmem_shared>> -> memref<100000xf32, #tpu.memory_space<vmem_shared>>
    %dma_wait3A_147 = tpu.memref_slice %arg22[%dma_wait3A_144] : memref<2x!tpu.dma_semaphore, #tpu.memory_space<semaphore_mem>> -> memref<1x!tpu.dma_semaphore, #tpu.memory_space<semaphore_mem>>
    %dma_wait3A_148 = tpu.memref_squeeze %dma_wait3A_147 : memref<1x!tpu.dma_semaphore, #tpu.memory_space<semaphore_mem>> -> memref<!tpu.dma_semaphore, #tpu.memory_space<semaphore_mem>>
    tpu.wait_indirect_dma semaphore(%dma_wait3A_148 : memref<!tpu.dma_semaphore, #tpu.memory_space<semaphore_mem>>) src(%dma_wait3A_146 : memref<100000xf32, #tpu.memory_space<vmem_shared>>) dst(%arg17 : memref<2048xf32, #tpu.memory_space<vmem>>)
    %scan3A_149 = arith.constant 0 : i32
    %scan3A_150 = arith.constant 0 : i32
    %scan3A_151 = arith.constant 32 : i32
    %scan3A_152 = arith.addi %scan3A_150, %scan3A_151 : i32
    %scan3A_153 = arith.constant 1 : i32
    scf.for %scan3A_172 = %scan3A_150 to %scan3A_152 step %scan3A_153  : i32 {
      %mul3A_173 = arith.constant 64 : i32
      %mul3A_174 = arith.muli %scan3A_172, %mul3A_173 : i32
      %add3A_175 = arith.constant 0 : i32
      %add3A_176 = arith.addi %mul3A_174, %add3A_175 : i32
      %get3A = arith.index_cast %add3A_176 : i32 to index
      %get3A_177 = tpu.vector_load %arg17[%get3A] {strides = array<i32>} : memref<2048xf32, #tpu.memory_space<vmem>>, vector<16xf32>,
      %get3A_178 = vector.shape_cast %get3A_177 : vector<16xf32> to vector<16xf32>
      %get3A_179 = arith.index_cast %add3A_176 : i32 to index
      %get3A_180 = tpu.vector_load %arg15[%get3A_179] {strides = array<i32>} : memref<2048xf32, #tpu.memory_space<vmem>>, vector<16xf32>,
      %get3A_181 = vector.shape_cast %get3A_180 : vector<16xf32> to vector<16xf32>
      %mul3A_182 = arith.mulf %get3A_178, %get3A_181 : vector<16xf32>
      %swap3A = arith.index_cast %add3A_176 : i32 to index
      %swap3A_183 = tpu.vector_load %arg19[%swap3A] {strides = array<i32>} : memref<2048xf32, #tpu.memory_space<vmem>>, vector<16xf32>,
      %swap3A_184 = vector.shape_cast %swap3A_183 : vector<16xf32> to vector<16xf32>
      %swap3A_185 = vector.shape_cast %mul3A_182 : vector<16xf32> to vector<16xf32>
      tpu.vector_store %arg19[%swap3A], %swap3A_185 {strides = array<i32>} : memref<2048xf32, #tpu.memory_space<vmem>>, vector<16xf32>,
      %get3A_186 = arith.constant 1 : i32
      %get3A_187 = arith.index_cast %get3A_186 : i32 to index
      %get3A_188 = arith.index_cast %add3A_176 : i32 to index
      %get3A_189 = tpu.vector_load %arg9[%get3A_187, %get3A_188] {strides = array<i32>} : memref<2x2048xi32, #tpu.memory_space<vmem>>, vector<1x16xi32>,
      %get3A_190 = vector.shape_cast %get3A_189 : vector<1x16xi32> to vector<16xi32>
      %swap3A_191 = arith.index_cast %add3A_176 : i32 to index
      %swap3A_192 = tpu.vector_load %arg13[%swap3A_191] {strides = array<i32>} : memref<2048xi32, #tpu.memory_space<vmem>>, vector<16xi32>,
      %swap3A_193 = vector.shape_cast %swap3A_192 : vector<16xi32> to vector<16xi32>
      %swap3A_194 = vector.shape_cast %get3A_190 : vector<16xi32> to vector<16xi32>
      tpu.vector_store %arg13[%swap3A_191], %swap3A_194 {strides = array<i32>} : memref<2048xi32, #tpu.memory_space<vmem>>, vector<16xi32>,
      %mul3A_195 = arith.constant 64 : i32
      %mul3A_196 = arith.muli %scan3A_172, %mul3A_195 : i32
      %add3A_197 = arith.constant 16 : i32
      %add3A_198 = arith.addi %mul3A_196, %add3A_197 : i32
      %get3A_199 = arith.index_cast %add3A_198 : i32 to index
      %get3A_200 = tpu.vector_load %arg17[%get3A_199] {strides = array<i32>} : memref<2048xf32, #tpu.memory_space<vmem>>, vector<16xf32>,
      %get3A_201 = vector.shape_cast %get3A_200 : vector<16xf32> to vector<16xf32>
      %get3A_202 = arith.index_cast %add3A_198 : i32 to index
      %get3A_203 = tpu.vector_load %arg15[%get3A_202] {strides = array<i32>} : memref<2048xf32, #tpu.memory_space<vmem>>, vector<16xf32>,
      %get3A_204 = vector.shape_cast %get3A_203 : vector<16xf32> to vector<16xf32>
      %mul3A_205 = arith.mulf %get3A_201, %get3A_204 : vector<16xf32>
      %swap3A_206 = arith.index_cast %add3A_198 : i32 to index
      %swap3A_207 = tpu.vector_load %arg19[%swap3A_206] {strides = array<i32>} : memref<2048xf32, #tpu.memory_space<vmem>>, vector<16xf32>,
      %swap3A_208 = vector.shape_cast %swap3A_207 : vector<16xf32> to vector<16xf32>
      %swap3A_209 = vector.shape_cast %mul3A_205 : vector<16xf32> to vector<16xf32>
      tpu.vector_store %arg19[%swap3A_206], %swap3A_209 {strides = array<i32>} : memref<2048xf32, #tpu.memory_space<vmem>>, vector<16xf32>,
      %get3A_210 = arith.constant 1 : i32
      %get3A_211 = arith.index_cast %get3A_210 : i32 to index
      %get3A_212 = arith.index_cast %add3A_198 : i32 to index
      %get3A_213 = tpu.vector_load %arg9[%get3A_211, %get3A_212] {strides = array<i32>} : memref<2x2048xi32, #tpu.memory_space<vmem>>, vector<1x16xi32>,
      %get3A_214 = vector.shape_cast %get3A_213 : vector<1x16xi32> to vector<16xi32>
      %swap3A_215 = arith.index_cast %add3A_198 : i32 to index
      %swap3A_216 = tpu.vector_load %arg13[%swap3A_215] {strides = array<i32>} : memref<2048xi32, #tpu.memory_space<vmem>>, vector<16xi32>,
      %swap3A_217 = vector.shape_cast %swap3A_216 : vector<16xi32> to vector<16xi32>
      %swap3A_218 = vector.shape_cast %get3A_214 : vector<16xi32> to vector<16xi32>
      tpu.vector_store %arg13[%swap3A_215], %swap3A_218 {strides = array<i32>} : memref<2048xi32, #tpu.memory_space<vmem>>, vector<16xi32>,
      %mul3A_219 = arith.constant 64 : i32
      %mul3A_220 = arith.muli %scan3A_172, %mul3A_219 : i32
      %add3A_221 = arith.constant 32 : i32
      %add3A_222 = arith.addi %mul3A_220, %add3A_221 : i32
      %get3A_223 = arith.index_cast %add3A_222 : i32 to index
      %get3A_224 = tpu.vector_load %arg17[%get3A_223] {strides = array<i32>} : memref<2048xf32, #tpu.memory_space<vmem>>, vector<16xf32>,
      %get3A_225 = vector.shape_cast %get3A_224 : vector<16xf32> to vector<16xf32>
      %get3A_226 = arith.index_cast %add3A_222 : i32 to index
      %get3A_227 = tpu.vector_load %arg15[%get3A_226] {strides = array<i32>} : memref<2048xf32, #tpu.memory_space<vmem>>, vector<16xf32>,
      %get3A_228 = vector.shape_cast %get3A_227 : vector<16xf32> to vector<16xf32>
      %mul3A_229 = arith.mulf %get3A_225, %get3A_228 : vector<16xf32>
      %swap3A_230 = arith.index_cast %add3A_222 : i32 to index
      %swap3A_231 = tpu.vector_load %arg19[%swap3A_230] {strides = array<i32>} : memref<2048xf32, #tpu.memory_space<vmem>>, vector<16xf32>,
      %swap3A_232 = vector.shape_cast %swap3A_231 : vector<16xf32> to vector<16xf32>
      %swap3A_233 = vector.shape_cast %mul3A_229 : vector<16xf32> to vector<16xf32>
      tpu.vector_store %arg19[%swap3A_230], %swap3A_233 {strides = array<i32>} : memref<2048xf32, #tpu.memory_space<vmem>>, vector<16xf32>,
      %get3A_234 = arith.constant 1 : i32
      %get3A_235 = arith.index_cast %get3A_234 : i32 to index
      %get3A_236 = arith.index_cast %add3A_222 : i32 to index
      %get3A_237 = tpu.vector_load %arg9[%get3A_235, %get3A_236] {strides = array<i32>} : memref<2x2048xi32, #tpu.memory_space<vmem>>, vector<1x16xi32>,
      %get3A_238 = vector.shape_cast %get3A_237 : vector<1x16xi32> to vector<16xi32>
      %swap3A_239 = arith.index_cast %add3A_222 : i32 to index
      %swap3A_240 = tpu.vector_load %arg13[%swap3A_239] {strides = array<i32>} : memref<2048xi32, #tpu.memory_space<vmem>>, vector<16xi32>,
      %swap3A_241 = vector.shape_cast %swap3A_240 : vector<16xi32> to vector<16xi32>
      %swap3A_242 = vector.shape_cast %get3A_238 : vector<16xi32> to vector<16xi32>
      tpu.vector_store %arg13[%swap3A_239], %swap3A_242 {strides = array<i32>} : memref<2048xi32, #tpu.memory_space<vmem>>, vector<16xi32>,
      %mul3A_243 = arith.constant 64 : i32
      %mul3A_244 = arith.muli %scan3A_172, %mul3A_243 : i32
      %add3A_245 = arith.constant 48 : i32
      %add3A_246 = arith.addi %mul3A_244, %add3A_245 : i32
      %get3A_247 = arith.index_cast %add3A_246 : i32 to index
      %get3A_248 = tpu.vector_load %arg17[%get3A_247] {strides = array<i32>} : memref<2048xf32, #tpu.memory_space<vmem>>, vector<16xf32>,
      %get3A_249 = vector.shape_cast %get3A_248 : vector<16xf32> to vector<16xf32>
      %get3A_250 = arith.index_cast %add3A_246 : i32 to index
      %get3A_251 = tpu.vector_load %arg15[%get3A_250] {strides = array<i32>} : memref<2048xf32, #tpu.memory_space<vmem>>, vector<16xf32>,
      %get3A_252 = vector.shape_cast %get3A_251 : vector<16xf32> to vector<16xf32>
      %mul3A_253 = arith.mulf %get3A_249, %get3A_252 : vector<16xf32>
      %swap3A_254 = arith.index_cast %add3A_246 : i32 to index
      %swap3A_255 = tpu.vector_load %arg19[%swap3A_254] {strides = array<i32>} : memref<2048xf32, #tpu.memory_space<vmem>>, vector<16xf32>,
      %swap3A_256 = vector.shape_cast %swap3A_255 : vector<16xf32> to vector<16xf32>
      %swap3A_257 = vector.shape_cast %mul3A_253 : vector<16xf32> to vector<16xf32>
      tpu.vector_store %arg19[%swap3A_254], %swap3A_257 {strides = array<i32>} : memref<2048xf32, #tpu.memory_space<vmem>>, vector<16xf32>,
      %get3A_258 = arith.constant 1 : i32
      %get3A_259 = arith.index_cast %get3A_258 : i32 to index
      %get3A_260 = arith.index_cast %add3A_246 : i32 to index
      %get3A_261 = tpu.vector_load %arg9[%get3A_259, %get3A_260] {strides = array<i32>} : memref<2x2048xi32, #tpu.memory_space<vmem>>, vector<1x16xi32>,
      %get3A_262 = vector.shape_cast %get3A_261 : vector<1x16xi32> to vector<16xi32>
      %swap3A_263 = arith.index_cast %add3A_246 : i32 to index
      %swap3A_264 = tpu.vector_load %arg13[%swap3A_263] {strides = array<i32>} : memref<2048xi32, #tpu.memory_space<vmem>>, vector<16xi32>,
      %swap3A_265 = vector.shape_cast %swap3A_264 : vector<16xi32> to vector<16xi32>
      %swap3A_266 = vector.shape_cast %get3A_262 : vector<16xi32> to vector<16xi32>
      tpu.vector_store %arg13[%swap3A_263], %swap3A_266 {strides = array<i32>} : memref<2048xi32, #tpu.memory_space<vmem>>, vector<16xi32>,
    }
    %scan3A_154 = arith.constant 32 : i32
    %convert_element_type3A_155 = arith.extui %lt3A_91 : i1 to i32
    %cond3A_156 = arith.constant 0 : i32
    %cond3A_157 = arith.cmpi ne, %convert_element_type3A_155, %cond3A_156 : i32
    scf.if %cond3A_157 {
      %dma_start3A_172 = arith.constant 1 : i32
      %dma_start3A_173 = arith.constant 0 : i32
      %dma_start3A_174 = tpu.memref_slice %arg6[%dma_start3A_173] : memref<100096xf32, #tpu.memory_space<vmem_shared>> -> memref<100096xf32, #tpu.memory_space<vmem_shared>>
      %dma_start3A_175 = tpu.memref_slice %arg23[%dma_start3A_172] : memref<2x!tpu.dma_semaphore, #tpu.memory_space<semaphore_mem>> -> memref<1x!tpu.dma_semaphore, #tpu.memory_space<semaphore_mem>>
      %dma_start3A_176 = tpu.memref_squeeze %dma_start3A_175 : memref<1x!tpu.dma_semaphore, #tpu.memory_space<semaphore_mem>> -> memref<!tpu.dma_semaphore, #tpu.memory_space<semaphore_mem>>
      tpu.enqueue_indirect_dma source(%arg19 : memref<2048xf32, #tpu.memory_space<vmem>>) target(%dma_start3A_174 : memref<100096xf32, #tpu.memory_space<vmem_shared>>) offsets(%arg13 : memref<2048xi32, #tpu.memory_space<vmem>>) semaphore(%dma_start3A_176 : memref<!tpu.dma_semaphore, #tpu.memory_space<semaphore_mem>>) {add = true}
    } else {
    }
    %dma_wait3A_158 = arith.constant 0 : i32
    %dma_wait3A_159 = arith.constant 0 : i32
    %dma_wait3A_160 = tpu.memref_slice %arg6[%dma_wait3A_159] : memref<100096xf32, #tpu.memory_space<vmem_shared>> -> memref<100096xf32, #tpu.memory_space<vmem_shared>>
    %dma_wait3A_161 = tpu.memref_slice %arg23[%dma_wait3A_158] : memref<2x!tpu.dma_semaphore, #tpu.memory_space<semaphore_mem>> -> memref<1x!tpu.dma_semaphore, #tpu.memory_space<semaphore_mem>>
    %dma_wait3A_162 = tpu.memref_squeeze %dma_wait3A_161 : memref<1x!tpu.dma_semaphore, #tpu.memory_space<semaphore_mem>> -> memref<!tpu.dma_semaphore, #tpu.memory_space<semaphore_mem>>
    tpu.wait_indirect_dma semaphore(%dma_wait3A_162 : memref<!tpu.dma_semaphore, #tpu.memory_space<semaphore_mem>>) src(%arg18 : memref<2048xf32, #tpu.memory_space<vmem>>) dst(%dma_wait3A_160 : memref<100096xf32, #tpu.memory_space<vmem_shared>>)
    %convert_element_type3A_163 = arith.extui %lt3A_91 : i1 to i32
    %cond3A_164 = arith.constant 0 : i32
    %cond3A_165 = arith.cmpi ne, %convert_element_type3A_163, %cond3A_164 : i32
    scf.if %cond3A_165 {
      %dma_wait3A_172 = arith.constant 1 : i32
      %dma_wait3A_173 = arith.constant 0 : i32
      %dma_wait3A_174 = tpu.memref_slice %arg6[%dma_wait3A_173] : memref<100096xf32, #tpu.memory_space<vmem_shared>> -> memref<100096xf32, #tpu.memory_space<vmem_shared>>
      %dma_wait3A_175 = tpu.memref_slice %arg23[%dma_wait3A_172] : memref<2x!tpu.dma_semaphore, #tpu.memory_space<semaphore_mem>> -> memref<1x!tpu.dma_semaphore, #tpu.memory_space<semaphore_mem>>
      %dma_wait3A_176 = tpu.memref_squeeze %dma_wait3A_175 : memref<1x!tpu.dma_semaphore, #tpu.memory_space<semaphore_mem>> -> memref<!tpu.dma_semaphore, #tpu.memory_space<semaphore_mem>>
      tpu.wait_indirect_dma semaphore(%dma_wait3A_176 : memref<!tpu.dma_semaphore, #tpu.memory_space<semaphore_mem>>) src(%arg19 : memref<2048xf32, #tpu.memory_space<vmem>>) dst(%dma_wait3A_174 : memref<100096xf32, #tpu.memory_space<vmem_shared>>)
    } else {
    }
    %barrier3A_166 = arith.constant 0 : index
    tpu.barrier barrier_id(%barrier3A_166)
    %eq3A_167 = arith.constant 0 : i32
    %eq3A_168 = arith.cmpi eq, %arg1, %eq3A_167 : i32
    %convert_element_type3A_169 = arith.extui %eq3A_168 : i1 to i32
    %cond3A_170 = arith.constant 0 : i32
    %cond3A_171 = arith.cmpi ne, %convert_element_type3A_169, %cond3A_170 : i32
    scf.if %cond3A_171 {
      "tpu.region"() ({
        %run_scoped3A = tpu.sem_alloc : memref<!tpu.dma_semaphore, #tpu.memory_space<semaphore_mem>>
        %dma_start3A_172 = arith.constant 0 : i32
        %dma_start3A_173 = tpu.memref_slice %arg5[%arg0, %dma_start3A_172] : memref<2x100096xf32, #tpu.memory_space<hbm>> -> memref<1x100096xf32, #tpu.memory_space<hbm>>
        %dma_start3A_174 = tpu.memref_squeeze %dma_start3A_173 : memref<1x100096xf32, #tpu.memory_space<hbm>> -> memref<100096xf32, #tpu.memory_space<hbm>>
        tpu.enqueue_dma source(%arg6 : memref<100096xf32, #tpu.memory_space<vmem_shared>>) target(%dma_start3A_174 : memref<100096xf32, #tpu.memory_space<hbm>>) target_semaphore(%run_scoped3A : memref<!tpu.dma_semaphore, #tpu.memory_space<semaphore_mem>>)
        %dma_wait3A_175 = arith.constant 0 : i32
        %dma_wait3A_176 = tpu.memref_slice %arg5[%arg0, %dma_wait3A_175] : memref<2x100096xf32, #tpu.memory_space<hbm>> -> memref<1x100096xf32, #tpu.memory_space<hbm>>
        %dma_wait3A_177 = tpu.memref_squeeze %dma_wait3A_176 : memref<1x100096xf32, #tpu.memory_space<hbm>> -> memref<100096xf32, #tpu.memory_space<hbm>>
        tpu.wait_dma2 semaphore(%run_scoped3A : memref<!tpu.dma_semaphore, #tpu.memory_space<semaphore_mem>>) src(%arg6 : memref<100096xf32, #tpu.memory_space<vmem_shared>>) dst(%dma_wait3A_177 : memref<100096xf32, #tpu.memory_space<hbm>>)
        tpu.yield
      }) : () -> ()
    } else {
    }
    return
  }
}

module attributes {stable_mosaic.version = 14 : i64} {
  func.func @_epilogue_body(%arg0: memref<8x12500xf32, #tpu.memory_space<vmem>>, %arg1: memref<8x12500xf32, #tpu.memory_space<vmem>>, %arg2: memref<8x12500xf32, #tpu.memory_space<vmem>>, %arg3: memref<8x12500xf32, #tpu.memory_space<vmem>>, %arg4: memref<8x12500xf32, #tpu.memory_space<vmem>>, %arg5: memref<8x12500xf32, #tpu.memory_space<vmem>>, %arg6: memref<8x12500xf32, #tpu.memory_space<vmem>>) attributes {dimension_semantics = [], scalar_prefetch = 0 : i64, scratch_operands = 0 : i64, tpu.core_type = #tpu.core_type<tc>} {
    %get3A = arith.constant 0 : index
    %get3A_0 = arith.constant 0 : index
    %get3A_1 = vector.load %arg0[%get3A, %get3A_0] : memref<8x12500xf32, #tpu.memory_space<vmem>>, vector<8x12500xf32>
    %get3A_2 = arith.constant 0 : index
    %get3A_3 = arith.constant 0 : index
    %get3A_4 = vector.load %arg1[%get3A_2, %get3A_3] : memref<8x12500xf32, #tpu.memory_space<vmem>>, vector<8x12500xf32>
    %add3A = arith.addf %get3A_1, %get3A_4 : vector<8x12500xf32>
    %get3A_5 = arith.constant 0 : index
    %get3A_6 = arith.constant 0 : index
    %get3A_7 = vector.load %arg5[%get3A_5, %get3A_6] : memref<8x12500xf32, #tpu.memory_space<vmem>>, vector<8x12500xf32>
    %add3A_8 = arith.addf %add3A, %get3A_7 : vector<8x12500xf32>
    %tanh3A = math.tanh %add3A_8 : vector<8x12500xf32>
    %get3A_9 = arith.constant 0 : index
    %get3A_10 = arith.constant 0 : index
    %get3A_11 = vector.load %arg4[%get3A_9, %get3A_10] : memref<8x12500xf32, #tpu.memory_space<vmem>>, vector<8x12500xf32>
    %div3A = arith.constant 1.000000e+00 : f32
    %div3A_12 = vector.broadcast %div3A : f32 to vector<8x12500xf32>
    %div3A_13 = arith.divf %div3A_12, %get3A_11 : vector<8x12500xf32>
    %get3A_14 = arith.constant 0 : index
    %get3A_15 = arith.constant 0 : index
    %get3A_16 = vector.load %arg3[%get3A_14, %get3A_15] : memref<8x12500xf32, #tpu.memory_space<vmem>>, vector<8x12500xf32>
    %mul3A = arith.mulf %get3A_16, %tanh3A : vector<8x12500xf32>
    %get3A_17 = arith.constant 0 : index
    %get3A_18 = arith.constant 0 : index
    %get3A_19 = vector.load %arg2[%get3A_17, %get3A_18] : memref<8x12500xf32, #tpu.memory_space<vmem>>, vector<8x12500xf32>
    %sub3A = arith.subf %mul3A, %get3A_19 : vector<8x12500xf32>
    %mul3A_20 = arith.mulf %div3A_13, %sub3A : vector<8x12500xf32>
    %swap3A = arith.constant 0 : index
    %swap3A_21 = arith.constant 0 : index
    %swap3A_22 = vector.load %arg6[%swap3A, %swap3A_21] : memref<8x12500xf32, #tpu.memory_space<vmem>>, vector<8x12500xf32>
    tpu.vector_store %arg6[%swap3A, %swap3A_21], %mul3A_20 {strides = array<i32>} : memref<8x12500xf32, #tpu.memory_space<vmem>>, vector<8x12500xf32>,
    return
  }
}

</mosaic_0001>

<sc_bundles>
// kernel: kernel.4.cloned.1.call-start
scs
__scs_entry_jumppad:
0x0: {  	(pc) =	sbr.rel $0x88, $3  }
0x1: {  	(tag) =	ssettag $0x0;
	lr =	simm.s32 $0x1  }
0x2: {  	[smem:$0x3F9B] =	sst lr;
	_ =	strace $0xD0000000  }
0x3: {  	_ = 	snop  }
0x4: {  	_ = 	snop  }
0x5: {  	_ = 	snop  }
0x6: {  	_ = 	snop  }
0x7: {  	_ = 	snop  }
__scs_overlays_trampoline_lowered:
0x8: {  	[smem:$0x3FAA] =	sst s0  }
0x9: {  	[smem:$0x3FAB] =	sst s1  }
0xa: {  	[smem:$0x3FAC] =	sst s2  }
0xb: {  	[smem:$0x3FAD] =	sst s3  }
0xc: {  	[smem:$0x3FAE] =	sst s4  }
0xd: {  	[smem:$0x3FAF] =	sst s5  }
0xe: {  	[smem:$0x3FB0] =	sst s6  }
0xf: {  	[smem:$0x3FB1] =	sst s7  }
0x10: {  	[smem:$0x3FB2] =	sst s8  }
0x11: {  	[smem:$0x3FB3] =	sst s9;
	s0 =	simm.s32 @!p0 $0x0  }
0x12: {  	s1 =	sld [smem:$0x3F99];
	s0 =	simm.s32 @p0 $0x1  }
0x13: {  	[smem:$0x3FB4] =	sst s0;
	s0 =	simm.s32 @!p1 $0x0  }
0x14: {  	s2 =	sld [smem:$0x3F98];
	s0 =	simm.s32 @p1 $0x1  }
0x15: {  	[smem:$0x3FB5] =	sst s0;
	s0 =	simm.s32 @!p2 $0x0  }
0x16: {  	s3 =	sld [smem:$0x3FDB];
	s0 =	simm.s32 @p2 $0x1  }
0x17: {  	s4 =	simm.s32 $0x1BF5;
	[smem:$0x3FB7] =	sst s0  }
0x18: {  	s0 =	sld [smem:$0x3F9A];
	_ =	swait.ge [sflag:s4], $0x0  }
0x19: {  	s7 =	sld [smem:$0x3F9B]  }
0x1a: {  	s8 =	sadd.s32 $0xFFFFE003, lr  }
0x1b: {  	s9 =	sadd.s32 $0xFFFFFEF7, lr;
	s5 =	simm.s32 $0xFFFFFFFF;
	p2 =	slt.u32 s8, $0xFFFFF086  }
0x1c: {  	p1 =	slt.u32 s9, $0xF7A;
	s5 =	simm.s32 @!p2 $0x0  }
0x1d: {  	s5 =	simm.s32 @p1 $0x1;
	p0 =	seq.s32 s7, s2  }
0x1e: {  	s7 =	smul.u32 @!p0 $0xF7A, s2;
	p2 =	seq.s32 @!p0 s5, $0x0  }
0x1f: {  	s9 =	smul.u32 $0xF7A, s1;
	s8 =	simm.s32 @!p0 $0x1BF5;
	p2 =	por !p2, p0  }
0x20: {  	[sflag:s8] =	ssyncset.s32 @!p0 $0xFFFFF086;
	s6 =	sadd.s32 @!p0 s3, s7;
	s7 =	simm.s32 @!p0 $0x108  }
0x21: {  	s3 =	sadd.s32 s3, s9;
	s6 =	sadd.s32 @!p0 $0x88, s6;
	s7 =	simm.s32 @p2 $0x1082  }
0x22: {  	[simem:s7], [sflag:s8] =	dma.local @!p0 [hbm:s6], $0xF7A  }
0x23: {  	s9 =	sor.u32 $0xD0000000, s2;
	s6 =	simm.s32 $0x108;
	_ =	swait.ge @!p0 [sflag:s8], $0x0  }
0x24: {  	s3 =	sadd.s32 $0x88, s3;
	s6 =	simm.s32 @!p1 $0x1082;
	[sflag:s4] =	ssyncset.s32 $0xFFFFF086  }
0x25: {  	[simem:s6], [sflag:s4] =	dma.local [hbm:s3], $0xF7A  }
0x26: {  	[smem:$0x3F9B] =	sst s1;
	(tag) =	ssettag s2;
	_ =	strace s9  }
0x27: {  	s1 =	sld [smem:$0x3FAB]  }
0x28: {  	s2 =	sld [smem:$0x3FAC]  }
0x29: {  	s4 =	sld [smem:$0x3FAE]  }
0x2a: {  	p0 =	seq.s32 s5, $0x0;
	s5 =	sld [smem:$0x3FAF]  }
0x2b: {  	s6 =	sld [smem:$0x3FB0]  }
0x2c: {  	s7 =	sld [smem:$0x3FB1]  }
0x2d: {  	s3 =	simm.s32 $0x108;
	s8 =	sld [smem:$0x3FB2]  }
0x2e: {  	s3 =	simm.s32 @!p0 $0x1082;
	s9 =	sld [smem:$0x3FB3]  }
0x2f: {  	lr =	sadd.s32 s0, s3;
	s0 =	sld [smem:$0x3FAA]  }
0x30: {  	s3 =	sld [smem:$0x3FAD]  }
0x31: {  	[smem:$0x3FB6] =	sst s10  }
0x32: {  	s10 =	sld [smem:$0x3FB4];
	_ =	sdelay $0x3  }
0x33: {  	p0 =	seq.s32 s10, $0x1;
	s10 =	sld [smem:$0x3FB6];
	_ =	sdelay $0x3  }
0x34: {  	[smem:$0x3FB6] =	sst s10  }
0x35: {  	s10 =	sld [smem:$0x3FB5];
	_ =	sdelay $0x3  }
0x36: {  	p1 =	seq.s32 s10, $0x1;
	s10 =	sld [smem:$0x3FB6];
	_ =	sdelay $0x3  }
0x37: {  	[smem:$0x3FB6] =	sst s10  }
0x38: {  	s10 =	sld [smem:$0x3FB7]  }
0x39: {  	_ = 	snop;
	(pc) =	sbr.ind lr, $3  }
0x3a: {  	_ = 	snop  }
0x3b: {  	_ = 	snop  }
0x3c: {  	p2 =	seq.s32 s10, $0x1;
	s10 =	sld [smem:$0x3FB6]  }
0x3d: {  	_ =	shalt  }
0x3e: {  	_ =	shalt  }
0x3f: {  	_ =	shalt  }
0x40: {  	_ =	shalt  }
0x41: {  	_ =	shalt  }
0x42: {  	_ =	shalt  }
0x43: {  	_ =	shalt  }
0x44: {  	_ =	shalt  }
0x45: {  	_ =	shalt  }
0x46: {  	_ =	shalt  }
0x47: {  	_ =	shalt  }
0x48: {  	_ =	shalt  }
0x49: {  	_ =	shalt  }
0x4a: {  	_ =	shalt  }
0x4b: {  	_ =	shalt  }
0x4c: {  	_ =	shalt  }
0x4d: {  	_ =	shalt  }
0x4e: {  	_ =	shalt  }
0x4f: {  	_ =	shalt  }
0x50: {  	_ =	shalt  }
0x51: {  	_ =	shalt  }
0x52: {  	_ =	shalt  }
0x53: {  	_ =	shalt  }
0x54: {  	_ =	shalt  }
0x55: {  	_ =	shalt  }
0x56: {  	_ =	shalt  }
0x57: {  	_ =	shalt  }
0x58: {  	_ =	shalt  }
0x59: {  	_ =	shalt  }
0x5a: {  	_ =	shalt  }
0x5b: {  	_ =	shalt  }
0x5c: {  	_ =	shalt  }
0x5d: {  	_ =	shalt  }
0x5e: {  	_ =	shalt  }
0x5f: {  	_ =	shalt  }
0x60: {  	_ =	shalt  }
0x61: {  	_ =	shalt  }
0x62: {  	_ =	shalt  }
0x63: {  	_ =	shalt  }
0x64: {  	_ =	shalt  }
0x65: {  	_ =	shalt  }
0x66: {  	_ =	shalt  }
0x67: {  	_ =	shalt  }
0x68: {  	_ =	shalt  }
0x69: {  	_ =	shalt  }
0x6a: {  	_ =	shalt  }
0x6b: {  	_ =	shalt  }
0x6c: {  	_ =	shalt  }
0x6d: {  	_ =	shalt  }
0x6e: {  	_ =	shalt  }
0x6f: {  	_ =	shalt  }
0x70: {  	_ =	shalt  }
0x71: {  	_ =	shalt  }
0x72: {  	_ =	shalt  }
0x73: {  	_ =	shalt  }
0x74: {  	_ =	shalt  }
0x75: {  	_ =	shalt  }
0x76: {  	_ =	shalt  }
0x77: {  	_ =	shalt  }
0x78: {  	_ =	shalt  }
0x79: {  	_ =	shalt  }
0x7a: {  	_ =	shalt  }
0x7b: {  	_ =	shalt  }
0x7c: {  	_ =	shalt  }
0x7d: {  	_ =	shalt  }
0x7e: {  	_ =	shalt  }
0x7f: {  	_ =	shalt  }
0x80: {  	_ =	shalt  }
0x81: {  	_ =	shalt  }
0x82: {  	_ =	shalt  }
0x83: {  	_ =	shalt  }
0x84: {  	_ =	shalt  }
0x85: {  	_ =	shalt  }
0x86: {  	_ =	shalt  }
0x87: {  	_ =	shalt  }
.Lfunc_end0:
.L_simem_size_0:
called_computation_lowered:
.L_overlay_start_0:
0x88: {  	s2 =	sld [smem:$0x3FD9]  }
0x89: {  	s3 =	sld [smem:$0x3FFE];
	_ =	sdelay $0x1  }
0x8a: {  	s1 =	srdreg.scid  }
0x8b: {  	s0 =	sand.u32 $0x1, s1  }
0x8c: {  	s17 =	sshll.u32 s0, $0xA;
	s2 =	sadd.s32 s3, s2  }
0x8d: {  	s2 =	sadd.s32 s2, s17  }
0x8e: {  	[smem:$0x3FC2] =	sst s2  }
0x8f: {  	_ = 	snop  }
0x90: {  	s2 =	sld [smem:$0x3FC9]  }
0x91: {  	s18 =	sld [smem:$0x3FC5]  }
0x92: {  	s4 =	sld [smem:$0x3FC4];
	(tm) =	ssettm $0x1  }
0x93: {  	s5 =	sld [smem:$0x3FFB];
	_ =	sdelay $0x3  }
0x94: {  	_ =	strace s5  }
0x95: {  	s5 =	sld [smem:$0x3FFC];
	_ =	sdelay $0x3  }
0x96: {  	_ =	strace s5  }
0x97: {  	s5 =	sld [smem:$0x3FFD];
	_ =	sdelay $0x3  }
0x98: {  	_ =	strace s5  }
0x99: {  	_ =	strace $0x8FFFFFFF  }
0x9a: {  	s19 =	sld [smem:$0x3FDB];
	_ =	sdelay $0x1  }
0x9b: {  	s6 =	simm.s32 $_scs_section_size  }
0x9c: {  	s7 =	simm.s32 $_size__tile_overlayer_lowered;
	s8 =	simm.s32 $_tile_overlayer_lowered  }
0x9d: {  	s22 =	simm.s32 $0x1BFF;
	s21 =	sshll.u32 s8, $0x1;
	s5 =	sadd.s32 s6, s19  }
0x9e: {  	s9 =	simm.s32 $0x0;
	s20 =	sshll.u32 s7, $0x1;
	s7 =	sadd.s32 s21, s5  }
0x9f: {  	[timem:s9], [sflag:s22] =	dma.local [hbm:s7], s20  }
0xa0: {  	_ =	swait.ge [sflag:s22], s20  }
0xa1: {  	s6 =	ssub.s32 $0x0, s20;
	[sflag:s22] =	ssyncset.done $0x0  }
0xa2: {  	[sflag:s22] =	ssyncadd.s32 s6;
	_ =	sdelay $0x1  }
0xa3: {  	s23 =	simm.s32 $0x1B8B  }
0xa4: {  	_ =	swait.ge [sflag:s23], $0x1  }
0xa5: {  	[sflag:s23] =	ssyncset.done $0x0  }
0xa6: {  	s25 =	simm.s32 $0x1B8E;
	s24 =	sld [smem:$0x3FFE];
	[sflag:s23] =	ssyncadd.s32 $0xFFFFFFFF  }
0xa7: {  	s26 =	simm.s32 $execute0_lowered;
	[smem:$0x3FD2] =	sst s25  }
0xa8: {  	s7 =	sshll.u32 s26, $0x1;
	_ =	strace $0x80000046;
	[dreg:$0x1] =	wrdreg $0xFFFFFFFF  }
0xa9: {  	s28 =	simm.s32 $_size_execute0_lowered;
	s5 =	sadd.s32 s5, s7;
	[dreg:$0x0] =	wrdreg $0x0  }
0xaa: {  	s7 =	sshll.u32 s28, $0x1;
	[dreg:$0x2] =	wrdreg s5  }
0xab: {  	[dreg:$0x3] =	wrdreg s7  }
0xac: {  	[dreg:$0x4] =	wrdreg $0xC0  }
0xad: {  	_ =	task [dreg:s9], $0x5FFFF  }
0xae: {  	[dreg:$0x1] =	wrdreg $0xFFFFFFFF  }
0xaf: {  	[dreg:$0x0] =	wrdreg $0x60  }
0xb0: {  	[dreg:$0x2] =	wrdreg s2  }
0xb1: {  	[dreg:$0x3] =	wrdreg s4  }
0xb2: {  	[dreg:$0x4] =	wrdreg s18  }
0xb3: {  	[dreg:$0x5] =	wrdreg s24  }
0xb4: {  	[dreg:$0x6] =	wrdreg $0x0  }
0xb5: {  	[dreg:$0x7] =	wrdreg $0x18700  }
0xb6: {  	[dreg:$0x8] =	wrdreg $0x9  }
0xb7: {  	_ =	task.clear_ibuf [dreg:s9], $0x9FFFF;
	_ =	strace $0x90000046  }
0xb8: {  	s29 =	simm.s32 $0x9;
	_ =	strace $0x80000048  }
0xb9: {  	_ =	swait.ge [sflag:s29], $0x1  }
0xba: {  	[sflag:s29] =	ssyncadd.s32 $0xFFFFFFFF  }
0xbb: {  	_ =	strace $0x90000048  }
0xbc: {  	_ =	sfence  }
0xbd: {  	s30 =	sld [smem:$0x0];
	_ =	sdelay $0x2  }
0xbe: {  	s31 =	sshll.u32 s1, $0xD;
	s1 =	sshrl.u32 s1, $0x2  }
0xbf: {  	s3 =	sand.u32 $0x4000, s31;
	s1 =	sadd.s32 s1, s30  }
0xc0: {  	s0 =	sor.u32 s3, s0;
	s1 =	sshll.u32 s1, $0x11  }
0xc1: {  	s0 =	sor.u32 s1, s0  }
0xc2: {  	s0 =	sadd.s32 $0x8F2B, s0  }
0xc3: {  	[sflag:s0] =	ssyncadd.remote.s32 $0x1  }
0xc4: {  	_ =	sfence.sel $0xFFFF  }
0xc5: {  	[dreg:$0x0] =	wrdreg $0xFFFFFFFF;
	(pc) =	sbr.abs _section_cstart, $3  }
0xc6: {  	[dreg:$0x1] =	wrdreg $0xFFFFFFFF  }
0xc7: {  	_ =	task.clear_ibuf [dreg:s9], $0x2FFFF;
	_ =	strace $0x9FFFFFFF  }
0xc8: {  	(tm) =	ssettm $0x7FFFFFFF  }
0xc9: {  	_ =	shalt  }
tec
execute0_lowered:
.L_overlay_start_1:
0x0: {  	(tag) =	ssettag $0x1  }
0x1: {  	s2 =	rddreg [dreg:$0x1]  }
0x2: {  	s3 =	rddreg [dreg:$0x2]  }
0x3: {  	s0 =	rddreg [dreg:$0x3]  }
0x4: {  	s4 =	rddreg [dreg:$0x4]  }
0x5: {  	s5 =	rddreg [dreg:$0x5];
	s6 =	simm.s32 $0x0;
	s1 =	srdreg.scid  }
0x6: {  	s8 =	stileid.u32;
	s28 =	simm.s32 $0x800;
	s31 =	simm.s32 $0x2  }
0x7: {  	s14 =	simm.s32 $0x7;
	s12 =	simm.s32 $0x0;
	[smem:$0x7FF] =	sst s6  }
0x8: {  	s1 =	sand.u32 $0x1, s1;
	s11 =	smul.u32 $0x61C0, s8;
	p0 =	sne.s32 s8, $0x0  }
0x9: {  	_ =	strace $0x80000047;
	s7 =	ssub.s32 $0x2, s1;
	s1 =	sshll.u32 s1, $0x4  }
0xa: {  	s9 =	sshrl.u32 s7, $0x1;
	s0 =	sadd.s32 s1, s0;
	s1 =	sor.u32 s8, s1  }
0xb: {  	s11 =	sshrl.u32 s11, $0x2;
	s8 =	simm.s32 $0x5;
	s7 =	ssub.s32 s7, s9  }
0xc: {  	s21 =	sshll.u32 s1, $0x4;
	s10 =	sshll.u32 s1, $0x9;
	s22 =	sshll.u32 s1, $0x8  }
0xd: {  	s24 =	sadd.s32 s11, s4;
	s15 =	sor.u32 $0x40, s1;
	s16 =	sor.u32 $0x60, s1  }
0xe: {  	s0 =	sadd.s32 $0x400, s0;
	p1 =	sgt.u32 s1, $0x14;
	[dreg:$0xa] =	wrdreg s24  }
0xf: {  	s1 =	simm.s32 $0x4;
	s10 =	sadd.s32 s2, s10;
	[dreg:$0xf] =	wrdreg s0  }
0x10: {  	s11 =	simm.s32 $0x6;
	s25 =	sadd.s32 $0x800, s24;
	[dreg:$0x7] =	wrdreg s10  }
0x11: {  	s9 =	sor.u32 $0x200, s21;
	s26 =	sadd.s32 $0x1000, s24;
	[dreg:$0xc] =	wrdreg s25  }
0x12: {  	s29 =	sadd.s32 $0x1800, s24;
	s30 =	smax.u32 s7, $0x1;
	[dreg:$0xd] =	wrdreg s26  }
0x13: {  	s7 =	simm.s32 $0x88E0;
	s10 =	sadd.s32 s3, s22;
	[dreg:$0xe] =	wrdreg s29  }
0x14: {  	s23 =	sshll.u32 s9, $0x5;
	s9 =	sshll.u32 s9, $0x4;
	[dreg:$0x10] =	wrdreg s30  }
0x15: {  	s25 =	simm.s32 $0x1;
	[dreg:$0x8] =	wrdreg s10;
	s10 =	sadd.s32 s2, s23  }
0x16: {  	s26 =	simm.s32 $0x3;
	s9 =	sadd.s32 s3, s9;
	[dreg:$0x9] =	wrdreg s10  }
0x17: {  	v0 =	vimm.f32 $0.0e+00;
	s23 =	simm.s32 $0x90E0;
	[dreg:$0xb] =	wrdreg s9;
	s9 =	simm.s32 $0x60E0  }
.LBB2_1:
0x18: {  	[dreg:$0x11] =	wrdreg s12  }
0x19: {  	s0 =	rddreg [dreg:$0x7]  }
0x1a: {  	s10 =	simm.s32 $0x30E0;
	s20 =	rddreg [dreg:$0x8]  }
0x1b: {  	[tilespmem:s10], [sflag:$0x1] =	stream.linear.gather [hbm4b:s0+s6], $0x1000, $0x38;
	[tilespmem:$0xA0E0] =	vst v63  }
0x1c: {  	s21 =	simm.s32 $0x70E0;
	s22 =	rddreg [dreg:$0x9]  }
0x1d: {  	[tilespmem:s21], [sflag:$0x3] =	stream.linear.gather [hbm4b:s20+s6], $0x800, $0x38;
	[tilespmem:$0xA0E0] =	vst v63  }
0x1e: {  	s24 =	simm.s32 $0x40E0;
	s29 =	rddreg [dreg:$0xb]  }
0x1f: {  	[tilespmem:s24], [sflag:$0x2] =	stream.linear.gather [hbm4b:s22+s6], $0x1000, $0x38;
	[tilespmem:$0xA0E0] =	vst v63  }
0x20: {  	s30 =	simm.s32 $0x78E0;
	s12 =	simm.s32 $0x0;
	s10 =	simm.s32 $0x40  }
0x21: {  	[tilespmem:s30], [sflag:$0x4] =	stream.linear.gather [hbm4b:s29+s6], $0x800, $0x38;
	[tilespmem:$0xA0E0] =	vst v63  }
.LBB2_2:
0x22: {  	p2 =	sne.s32 s10, $0x1FC0;
	[tilespmem:s12+$0x90E0] =	vst v0;
	s12 =	smov.u32 s10;
	s10 =	sadd.s32 $0x40, s10  }
.Ltmp0:
0x23: {  	(pc) =	sbr.rel @p2 .LBB2_2-.Ltmp0, $2  }
0x24: {  	_ =	sdelay $0x2  }
0x25: {  	s12 =	sshra.s32 s12, $0x2  }
0x26: {  	[tilespmem:s12+$0x90E0] =	vst v0;
	s0 =	rddreg [dreg:$0xa];
	s10 =	simm.s32 $0x9  }
0x27: {  	[spmem:s0] =	stream.linear.scatter [tilespmem:s23], [sflag:$0x9], $0x800, $0x38;
	[tilespmem:$0xA0E0] =	vst v63  }
0x28: {  	_ =	swait.ge [sflag:s10], $0x800  }
0x29: {  	[sflag:s10] =	ssyncset.done $0x0  }
0x2a: {  	s18 =	rddreg [dreg:$0xc];
	[sflag:s10] =	ssyncadd.s32 $0xFFFFF800  }
0x2b: {  	[spmem:s18] =	stream.linear.scatter [tilespmem:s23], [sflag:$0x9], $0x800, $0x38;
	[tilespmem:$0xA0E0] =	vst v63  }
0x2c: {  	_ =	swait.ge [sflag:s10], $0x800  }
0x2d: {  	[sflag:s10] =	ssyncset.done $0x0  }
0x2e: {  	s19 =	rddreg [dreg:$0xd];
	[sflag:s10] =	ssyncadd.s32 $0xFFFFF800  }
0x2f: {  	[spmem:s19] =	stream.linear.scatter [tilespmem:s23], [sflag:$0x9], $0x800, $0x38;
	[tilespmem:$0xA0E0] =	vst v63  }
0x30: {  	_ =	swait.ge [sflag:s10], $0x800  }
0x31: {  	[sflag:s10] =	ssyncset.done $0x0  }
0x32: {  	s20 =	rddreg [dreg:$0xe];
	[sflag:s10] =	ssyncadd.s32 $0xFFFFF800  }
0x33: {  	[spmem:s20] =	stream.linear.scatter [tilespmem:s23], [sflag:$0x9], $0x70, $0x38;
	[tilespmem:$0xA0E0] =	vst v63  }
0x34: {  	_ =	swait.ge [sflag:s10], $0x70  }
0x35: {  	[sflag:s10] =	ssyncset.done $0x0  }
0x36: {  	[sflag:s10] =	ssyncadd.s32 $0xFFFFFF90  }
0x37: {  	s12 =	simm.s32 @!p0 $0x1C09;
	s10 =	sshrl.u32 @!p0 s5, $0x3;
	s0 =	rddreg [dreg:$0x0]  }
0x38: {  	[spmem:s10], [sflag:s12] =	dma.local @!p0 [hbm:s0], $0x30E0  }
0x39: {  	s10 =	simm.s32 @!p0 $0x9  }
0x3a: {  	_ =	swait.ge @!p0 [sflag:s10], $0x30E0  }
0x3b: {  	[sflag:s10] =	ssyncset.done @!p0 $0x0  }
0x3c: {  	[sflag:s10] =	ssyncadd.s32 @!p0 $0xFFFFCF20  }
0x3d: {  	[bflag:$0x0] =	sbarrier.arrive $0xFFFF  }
0x3e: {  	_ =	swait.ge [sflag:s25], $0x1000  }
0x3f: {  	s21 =	simm.s32 $0x0;
	[sflag:s25] =	ssyncset.done $0x0  }
0x40: {  	s22 =	sand.u32 $0x3C00, s21;
	[sflag:s25] =	ssyncadd.s32 $0xFFFFF000  }
0x41: {  	s10 =	sshrl.u32 s22, $0x2;
	_ =	swait.ge [sflag:s26], $0x800  }
0x42: {  	s13 =	sand.u32 $0x40, s21;
	s17 =	sor.u32 $0x30E0, s10;
	[sflag:s26] =	ssyncset.done $0x0  }
0x43: {  	s10 =	sadd.s32 s13, s17;
	[sflag:s26] =	ssyncadd.s32 $0xFFFFF800  }
0x44: {  	v1 =	vld [tilespmem:s10+$0x0];
	_ =	sdelay $0x3  }
0x45: {  	s19 =	sor.u32 $0x10, s13;
	s10 =	simm.s32 $0x50E0  }
0x46: {  	s18 =	sadd.s32 s19, s17;
	[tilespmem:s10+$0x0] =	vst v1  }
0x47: {  	v1 =	vld [tilespmem:s18+$0x0];
	_ =	sdelay $0x1  }
0x48: {  	s12 =	sand.u32 $0x780, s21  }
0x49: {  	s18 =	sadd.s32 $0x50E0, s12  }
0x4a: {  	s24 =	sor.u32 $0x20, s13;
	s12 =	sadd.s32 s19, s18  }
0x4b: {  	s29 =	sadd.s32 s24, s17;
	[tilespmem:s12+$0x0] =	vst v1  }
0x4c: {  	v1 =	vld [tilespmem:s29+$0x0];
	_ =	sdelay $0x3  }
0x4d: {  	s30 =	sadd.s32 s24, s18;
	s19 =	sor.u32 $0x30, s13  }
0x4e: {  	s17 =	sadd.s32 s19, s17;
	[tilespmem:s30+$0x0] =	vst v1  }
0x4f: {  	v1 =	vld [tilespmem:s17+$0x0]  }
0x50: {  	s13 =	simm.s32 $0x200  }
0x51: {  	s20 =	sand.u32 $0x3C00, s13;
	s12 =	simm.s32 $0x40;
	s17 =	simm.s32 $0x80  }
.LBB2_4:
0x52: {  	p2 =	sne.s32 s17, $0x7C0;
	s20 =	sshrl.u32 s20, $0x2  }
0x53: {  	s21 =	sand.u32 $0x40, s12;
	s18 =	sadd.s32 s19, s18;
	s20 =	sor.u32 $0x30E0, s20  }
0x54: {  	s19 =	sadd.s32 s21, s20;
	[tilespmem:s18+$0x0] =	vst v1  }
0x55: {  	v1 =	vld [tilespmem:s19+$0x0];
	_ =	sdelay $0x3  }
0x56: {  	s10 =	sadd.s32 $0x40, s10;
	s19 =	sor.u32 $0x10, s21  }
0x57: {  	s18 =	sadd.s32 s19, s20;
	[tilespmem:s10+$0x0] =	vst v1  }
0x58: {  	v1 =	vld [tilespmem:s18+$0x0];
	_ =	sdelay $0x1  }
0x59: {  	s18 =	sand.u32 $0x780, s12;
	s12 =	smov.u32 s17  }
0x5a: {  	s18 =	sadd.s32 $0x50E0, s18  }
0x5b: {  	s22 =	sor.u32 $0x20, s21;
	s19 =	sadd.s32 s19, s18  }
0x5c: {  	[tilespmem:s19+$0x0] =	vst v1;
	s19 =	sadd.s32 s22, s20  }
0x5d: {  	v1 =	vld [tilespmem:s19+$0x0];
	_ =	sdelay $0x3  }
.Ltmp1:
0x5e: {  	s22 =	sadd.s32 s22, s18;
	s19 =	sor.u32 $0x30, s21;
	(pc) =	sbr.rel @p2 .LBB2_4-.Ltmp1, $4  }
0x5f: {  	s20 =	sadd.s32 s19, s20;
	[tilespmem:s22+$0x0] =	vst v1  }
0x60: {  	v1 =	vld [tilespmem:s20+$0x0]  }
0x61: {  	s13 =	sadd.s32 $0x200, s13  }
0x62: {  	s17 =	sadd.s32 $0x40, s17;
	s20 =	sand.u32 $0x3C00, s13  }
0x63: {  	s13 =	sshrl.u32 s20, $0x2  }
0x64: {  	s17 =	sand.u32 $0x40, s12;
	s18 =	sadd.s32 s19, s18;
	s13 =	sor.u32 $0x30E0, s13  }
0x65: {  	s29 =	sadd.s32 s17, s13;
	[tilespmem:s18+$0x0] =	vst v1  }
0x66: {  	v1 =	vld [tilespmem:s29+$0x0];
	_ =	sdelay $0x3  }
0x67: {  	s10 =	sadd.s32 $0x40, s10;
	s30 =	sor.u32 $0x10, s17  }
0x68: {  	s0 =	sadd.s32 s30, s13;
	[tilespmem:s10+$0x0] =	vst v1  }
0x69: {  	v1 =	vld [tilespmem:s0+$0x0];
	_ =	sdelay $0x1  }
0x6a: {  	s19 =	sand.u32 $0x780, s12  }
0x6b: {  	s10 =	sadd.s32 $0x50E0, s19  }
0x6c: {  	s21 =	sor.u32 $0x20, s17;
	s20 =	sadd.s32 s30, s10  }
0x6d: {  	s22 =	sadd.s32 s21, s13;
	[tilespmem:s20+$0x0] =	vst v1  }
0x6e: {  	v1 =	vld [tilespmem:s22+$0x0];
	_ =	sdelay $0x3  }
0x6f: {  	s17 =	sor.u32 $0x30, s17;
	s24 =	sadd.s32 s21, s10  }
0x70: {  	s29 =	sadd.s32 s17, s13;
	[tilespmem:s24+$0x0] =	vst v1  }
0x71: {  	v1 =	vld [tilespmem:s29+$0x0];
	_ =	sdelay $0x3  }
0x72: {  	s10 =	sadd.s32 s17, s10;
	s0 =	simm.s32 $0x50E0  }
0x73: {  	s30 =	simm.s32 $0x80E0;
	s17 =	simm.s32 $0x0;
	[tilespmem:s10+$0x0] =	vst v1;
	s10 =	simm.s32 $0x0  }
0x74: {  	[tilespmem:s30], [sflag:$0x5] =	stream.indirect.gather [spmem:s5], $0x1, s0, s28, $0xb8;
	[tilespmem:$0xA0E0] =	vst v63  }
.LBB2_6:
0x75: {  	_ =	swait.ge [sflag:s31], $0x1000  }
0x76: {  	[sflag:s31] =	ssyncset.done $0x0  }
0x77: {  	s12 =	sand.u32 $0x3C00, s10;
	[sflag:s31] =	ssyncadd.s32 $0xFFFFF000  }
0x78: {  	s12 =	sshrl.u32 s12, $0x2;
	_ =	swait.ge [sflag:s1], $0x800  }
0x79: {  	s13 =	sand.u32 $0x40, s10;
	s18 =	sor.u32 $0x40E0, s12;
	[sflag:s1] =	ssyncset.done $0x0  }
0x7a: {  	s12 =	sadd.s32 s13, s18;
	[sflag:s1] =	ssyncadd.s32 $0xFFFFF800  }
0x7b: {  	v1 =	vld [tilespmem:s12+$0x0];
	_ =	sdelay $0x3  }
0x7c: {  	s19 =	sor.u32 $0x10, s13;
	s12 =	simm.s32 $0x58E0  }
0x7d: {  	s20 =	sadd.s32 s19, s18;
	[tilespmem:s12+$0x0] =	vst v1  }
0x7e: {  	v1 =	vld [tilespmem:s20+$0x0];
	_ =	sdelay $0x1  }
0x7f: {  	s22 =	sand.u32 $0x780, s10  }
0x80: {  	s20 =	sadd.s32 $0x58E0, s22  }
0x81: {  	s21 =	sor.u32 $0x20, s13;
	s19 =	sadd.s32 s19, s20  }
0x82: {  	s24 =	sadd.s32 s21, s18;
	[tilespmem:s19+$0x0] =	vst v1  }
0x83: {  	v1 =	vld [tilespmem:s24+$0x0];
	_ =	sdelay $0x3  }
0x84: {  	s29 =	sadd.s32 s21, s20;
	s21 =	sor.u32 $0x30, s13  }
0x85: {  	s30 =	sadd.s32 s21, s18;
	[tilespmem:s29+$0x0] =	vst v1  }
0x86: {  	v1 =	vld [tilespmem:s30+$0x0]  }
0x87: {  	s18 =	simm.s32 $0x200  }
0x88: {  	s13 =	simm.s32 $0x40;
	s22 =	sand.u32 $0x3C00, s18;
	s19 =	simm.s32 $0x80  }
.LBB2_7:
0x89: {  	p2 =	sne.s32 s19, $0x7C0;
	s22 =	sshrl.u32 s22, $0x2  }
0x8a: {  	s24 =	sand.u32 $0x40, s13;
	s20 =	sadd.s32 s21, s20;
	s22 =	sor.u32 $0x40E0, s22  }
0x8b: {  	s21 =	sadd.s32 s24, s22;
	[tilespmem:s20+$0x0] =	vst v1  }
0x8c: {  	v1 =	vld [tilespmem:s21+$0x0];
	_ =	sdelay $0x3  }
0x8d: {  	s12 =	sadd.s32 $0x40, s12;
	s21 =	sor.u32 $0x10, s24  }
0x8e: {  	s20 =	sadd.s32 s21, s22;
	[tilespmem:s12+$0x0] =	vst v1  }
0x8f: {  	v1 =	vld [tilespmem:s20+$0x0];
	_ =	sdelay $0x1  }
0x90: {  	s20 =	sand.u32 $0x780, s13;
	s13 =	smov.u32 s19  }
0x91: {  	s20 =	sadd.s32 $0x58E0, s20  }
0x92: {  	s29 =	sor.u32 $0x20, s24;
	s21 =	sadd.s32 s21, s20  }
0x93: {  	[tilespmem:s21+$0x0] =	vst v1;
	s21 =	sadd.s32 s29, s22  }
0x94: {  	v1 =	vld [tilespmem:s21+$0x0];
	_ =	sdelay $0x3  }
.Ltmp2:
0x95: {  	s29 =	sadd.s32 s29, s20;
	s21 =	sor.u32 $0x30, s24;
	(pc) =	sbr.rel @p2 .LBB2_7-.Ltmp2, $4  }
0x96: {  	s22 =	sadd.s32 s21, s22;
	[tilespmem:s29+$0x0] =	vst v1  }
0x97: {  	v1 =	vld [tilespmem:s22+$0x0]  }
0x98: {  	s18 =	sadd.s32 $0x200, s18  }
0x99: {  	s19 =	sadd.s32 $0x40, s19;
	s22 =	sand.u32 $0x3C00, s18  }
0x9a: {  	s18 =	sshrl.u32 s22, $0x2  }
0x9b: {  	s19 =	sand.u32 $0x40, s13;
	s20 =	sadd.s32 s21, s20;
	s18 =	sor.u32 $0x40E0, s18  }
0x9c: {  	s29 =	sadd.s32 s19, s18;
	[tilespmem:s20+$0x0] =	vst v1  }
0x9d: {  	v1 =	vld [tilespmem:s29+$0x0];
	_ =	sdelay $0x3  }
0x9e: {  	s12 =	sadd.s32 $0x40, s12;
	s30 =	sor.u32 $0x10, s19  }
0x9f: {  	s0 =	sadd.s32 s30, s18;
	[tilespmem:s12+$0x0] =	vst v1  }
0xa0: {  	v1 =	vld [tilespmem:s0+$0x0];
	_ =	sdelay $0x1  }
0xa1: {  	s21 =	sand.u32 $0x780, s13  }
0xa2: {  	s12 =	sadd.s32 $0x58E0, s21  }
0xa3: {  	s24 =	sor.u32 $0x20, s19;
	s22 =	sadd.s32 s30, s12  }
0xa4: {  	s29 =	sadd.s32 s24, s18;
	[tilespmem:s22+$0x0] =	vst v1  }
0xa5: {  	v1 =	vld [tilespmem:s29+$0x0];
	_ =	sdelay $0x3  }
0xa6: {  	s19 =	sor.u32 $0x30, s19;
	s30 =	sadd.s32 s24, s12  }
0xa7: {  	s0 =	sadd.s32 s19, s18;
	[tilespmem:s30+$0x0] =	vst v1  }
0xa8: {  	v1 =	vld [tilespmem:s0+$0x0];
	_ =	sdelay $0x3  }
0xa9: {  	s12 =	sadd.s32 s19, s12  }
0xaa: {  	s0 =	simm.s32 $0x58E0;
	[tilespmem:s12+$0x0] =	vst v1  }
0xab: {  	[tilespmem:s7], [sflag:$0x6] =	stream.indirect.gather [spmem:s5], $0x1, s0, s28, $0xb8;
	[tilespmem:$0xA0E0] =	vst v63  }
0xac: {  	_ =	swait.ge [sflag:s8], $0x800  }
0xad: {  	[sflag:s8] =	ssyncset.done $0x0  }
0xae: {  	s18 =	simm.s32 $0x70E0;
	[sflag:s8] =	ssyncadd.s32 $0xFFFFF800  }
0xaf: {  	s24 =	simm.s32 $0x80E0;
	v1 =	vld [tilespmem:s18+$0x0]  }
0xb0: {  	v2 =	vld [tilespmem:s24+$0x0];
	_ =	sdelay $0x2  }
0xb1: {  	p2 =	por $0x0, $0x0;
	s12 =	simm.s32 $0x1  }
0xb2: {  	s12 =	simm.s32 @!p2 $0x0  }
0xb3: {  	s12 =	sshll.u32 s12, $0x6;
	v1 =	vmul.f32 v1, v2  }
0xb4: {  	s19 =	simm.s32 $0x90E0;
	s12 =	sadd.s32 $0x0, s12  }
0xb5: {  	s20 =	sor.u32 $0x80, s12;
	[tilespmem:s19+$0x0] =	vst v1  }
0xb6: {  	v1 =	vld [tilespmem:s20+$0x30E0];
	_ =	sdelay $0x3  }
0xb7: {  	s21 =	simm.s32 $0x60E0;
	s18 =	simm.s32 $0x0  }
0xb8: {  	[tilespmem:s21+$0x0] =	vst v1;
	s21 =	sand.u32 $0x7C0, s18  }
0xb9: {  	v1 =	vld [tilespmem:s21+$0x80F0]  }
0xba: {  	v2 =	vld [tilespmem:s21+$0x70F0];
	_ =	sdelay $0x3  }
0xbb: {  	v3 =	vld [tilespmem:s21+$0x8100]  }
0xbc: {  	v4 =	vld [tilespmem:s21+$0x7100];
	v1 =	vmul.f32 v2, v1  }
0xbd: {  	s22 =	sadd.s32 $0x10, s12  }
0xbe: {  	s13 =	sor.u32 $0x80, s22;
	[tilespmem:s21+$0x90F0] =	vst v1  }
0xbf: {  	v1 =	vld [tilespmem:s13+$0x30E0];
	_ =	sdelay $0x1  }
0xc0: {  	v5 =	vld [tilespmem:s21+$0x8110];
	v3 =	vmul.f32 v4, v3  }
0xc1: {  	v2 =	vld [tilespmem:s21+$0x7110]  }
0xc2: {  	s29 =	sadd.s32 $0x20, s12;
	[tilespmem:s21+$0x9100] =	vst v3  }
0xc3: {  	s13 =	sor.u32 $0x80, s29;
	[tilespmem:s21+$0x60F0] =	vst v1  }
0xc4: {  	v1 =	vld [tilespmem:s13+$0x30E0];
	_ =	sdelay $0x1  }
0xc5: {  	v2 =	vmul.f32 v2, v5;
	_ =	sdelay $0x1  }
0xc6: {  	s30 =	sadd.s32 $0x30, s12;
	[tilespmem:s21+$0x9110] =	vst v2  }
0xc7: {  	s13 =	sor.u32 $0x80, s30;
	[tilespmem:s21+$0x6100] =	vst v1  }
0xc8: {  	v1 =	vld [tilespmem:s13+$0x30E0];
	_ =	sdelay $0x1  }
0xc9: {  	s12 =	simm.s32 $0x80  }
0xca: {  	s19 =	simm.s32 $0x9120;
	s20 =	simm.s32 $0x6120;
	s13 =	simm.s32 $0x7120  }
.LBB2_9:
0xcb: {  	p2 =	por !p2, !p2;
	s18 =	sadd.s32 $0x40, s18;
	s24 =	sadd.s32 $0x40, s24  }
0xcc: {  	p3 =	sne.s32 s12, $0xF80;
	[tilespmem:s21+$0x6110] =	vst v1;
	s21 =	smov.u32 s12;
	s12 =	sadd.s32 $0x80, s12  }
0xcd: {  	v1 =	vld [tilespmem:s13+$0x0]  }
0xce: {  	v2 =	vld [tilespmem:s24+$0x0];
	_ =	sdelay $0x2  }
0xcf: {  	s22 =	simm.s32 $0x1  }
0xd0: {  	s22 =	simm.s32 @!p2 $0x0  }
0xd1: {  	s22 =	sshll.u32 s22, $0x6;
	v1 =	vmul.f32 v1, v2  }
0xd2: {  	s21 =	sadd.s32 s22, s21  }
0xd3: {  	s22 =	sor.u32 $0x80, s21;
	s29 =	sadd.s32 $0x10, s21;
	s30 =	sadd.s32 $0x20, s21;
	[tilespmem:s19+$0x0] =	vst v1  }
0xd4: {  	v1 =	vld [tilespmem:s22+$0x30E0];
	s22 =	sadd.s32 $0x30, s21;
	_ =	sdelay $0x4  }
0xd5: {  	s21 =	sand.u32 $0x7C0, s18;
	[tilespmem:s20+$0x0] =	vst v1  }
0xd6: {  	v1 =	vld [tilespmem:s21+$0x80F0]  }
0xd7: {  	v2 =	vld [tilespmem:s21+$0x70F0]  }
0xd8: {  	v3 =	vld [tilespmem:s21+$0x8100]  }
0xd9: {  	v4 =	vld [tilespmem:s21+$0x7100]  }
0xda: {  	v5 =	vld [tilespmem:s21+$0x8110]  }
0xdb: {  	v6 =	vld [tilespmem:s21+$0x7110]  }
0xdc: {  	v1 =	vmul.f32 v2, v1  }
0xdd: {  	s29 =	sor.u32 $0x80, s29  }
0xde: {  	[tilespmem:s21+$0x90F0] =	vst v1;
	v1 =	vmul.f32 v4, v3  }
0xdf: {  	v2 =	vld [tilespmem:s29+$0x30E0]  }
0xe0: {  	[tilespmem:s21+$0x9100] =	vst v1;
	_ =	sdelay $0x2  }
0xe1: {  	s29 =	sor.u32 $0x80, s30  }
0xe2: {  	v1 =	vmul.f32 v6, v5;
	[tilespmem:s21+$0x60F0] =	vst v2  }
0xe3: {  	v2 =	vld [tilespmem:s29+$0x30E0]  }
0xe4: {  	[tilespmem:s21+$0x9110] =	vst v1;
	_ =	sdelay $0x2  }
0xe5: {  	s22 =	sor.u32 $0x80, s22  }
.Ltmp3:
0xe6: {  	[tilespmem:s21+$0x6100] =	vst v2;
	(pc) =	sbr.rel @p3 .LBB2_9-.Ltmp3, $2  }
0xe7: {  	v1 =	vld [tilespmem:s22+$0x30E0];
	_ =	sdelay $0x2  }
0xe8: {  	s13 =	sadd.s32 $0x40, s13;
	s19 =	sadd.s32 $0x40, s19;
	s20 =	sadd.s32 $0x40, s20  }
0xe9: {  	p2 =	seq.s32 s17, $0x0;
	s24 =	sshll.u32 s17, $0x6  }
0xea: {  	[tilespmem:s21+$0x6110] =	vst v1;
	s12 =	simm.s32 @!p2 $0x8;
	s13 =	sadd.s32 s15, s24  }
0xeb: {  	[spmem:s4] =	stream.indirect.scatter.add.f32 [tilespmem:s23], [sflag:$0x7], $0x1, s9, s28, $0xb8;
	[tilespmem:$0xA0E0] =	vst v63  }
0xec: {  	s0 =	simm.s32 $0x30E0;
	s18 =	sshll.u32 s13, $0x9;
	_ =	swait.ge @!p2 [sflag:s12], $0x800  }
0xed: {  	s21 =	simm.s32 $0x0;
	s20 =	sand.u32 $0x1FFFFE00, s18;
	[sflag:s12] =	ssyncset.done @!p2 $0x0  }
0xee: {  	s13 =	sshll.u32 s13, $0x8;
	[sflag:s12] =	ssyncadd.s32 @!p2 $0xFFFFF800;
	s12 =	sadd.s32 s2, s20  }
0xef: {  	[tilespmem:s0], [sflag:$0x1] =	stream.linear.gather [hbm4b:s12+s21], $0x1000, $0x38;
	[tilespmem:$0xA0E0] =	vst v63  }
0xf0: {  	s29 =	simm.s32 $0x70E0;
	s22 =	sadd.s32 s3, s13  }
0xf1: {  	[tilespmem:s29], [sflag:$0x3] =	stream.linear.gather [hbm4b:s22+s21], $0x800, $0x38;
	[tilespmem:$0xA0E0] =	vst v63  }
0xf2: {  	_ =	swait.ge [sflag:s25], $0x1000  }
0xf3: {  	[sflag:s25] =	ssyncset.done $0x0  }
0xf4: {  	s30 =	sand.u32 $0x3C00, s21;
	[sflag:s25] =	ssyncadd.s32 $0xFFFFF000  }
0xf5: {  	s12 =	sshrl.u32 s30, $0x2;
	_ =	swait.ge [sflag:s26], $0x800  }
0xf6: {  	s13 =	sand.u32 $0x40, s21;
	s19 =	sor.u32 $0x30E0, s12;
	[sflag:s26] =	ssyncset.done $0x0  }
0xf7: {  	s12 =	sadd.s32 s13, s19;
	[sflag:s26] =	ssyncadd.s32 $0xFFFFF800  }
0xf8: {  	v1 =	vld [tilespmem:s12+$0x0];
	_ =	sdelay $0x3  }
0xf9: {  	s0 =	sor.u32 $0x10, s13;
	s12 =	simm.s32 $0x50E0  }
0xfa: {  	s20 =	sadd.s32 s0, s19;
	[tilespmem:s12+$0x0] =	vst v1  }
0xfb: {  	v1 =	vld [tilespmem:s20+$0x0];
	_ =	sdelay $0x1  }
0xfc: {  	s18 =	sand.u32 $0x780, s21  }
0xfd: {  	s20 =	sadd.s32 $0x50E0, s18  }
0xfe: {  	s22 =	sor.u32 $0x20, s13;
	s18 =	sadd.s32 s0, s20  }
0xff: {  	s29 =	sadd.s32 s22, s19;
	[tilespmem:s18+$0x0] =	vst v1  }
0x100: {  	v1 =	vld [tilespmem:s29+$0x0];
	_ =	sdelay $0x3  }
0x101: {  	s21 =	sor.u32 $0x30, s13;
	s30 =	sadd.s32 s22, s20  }
0x102: {  	s19 =	sadd.s32 s21, s19;
	[tilespmem:s30+$0x0] =	vst v1  }
0x103: {  	v1 =	vld [tilespmem:s19+$0x0]  }
0x104: {  	s18 =	simm.s32 $0x200  }
0x105: {  	s13 =	simm.s32 $0x40;
	s22 =	sand.u32 $0x3C00, s18;
	s19 =	simm.s32 $0x80  }
.LBB2_11:
0x106: {  	p2 =	sne.s32 s19, $0x7C0;
	s22 =	sshrl.u32 s22, $0x2  }
0x107: {  	s29 =	sand.u32 $0x40, s13;
	s20 =	sadd.s32 s21, s20;
	s22 =	sor.u32 $0x30E0, s22  }
0x108: {  	s21 =	sadd.s32 s29, s22;
	[tilespmem:s20+$0x0] =	vst v1  }
0x109: {  	v1 =	vld [tilespmem:s21+$0x0];
	_ =	sdelay $0x3  }
0x10a: {  	s12 =	sadd.s32 $0x40, s12;
	s21 =	sor.u32 $0x10, s29  }
0x10b: {  	s20 =	sadd.s32 s21, s22;
	[tilespmem:s12+$0x0] =	vst v1  }
0x10c: {  	v1 =	vld [tilespmem:s20+$0x0];
	_ =	sdelay $0x1  }
0x10d: {  	s20 =	sand.u32 $0x780, s13;
	s13 =	smov.u32 s19  }
0x10e: {  	s20 =	sadd.s32 $0x50E0, s20  }
0x10f: {  	s30 =	sor.u32 $0x20, s29;
	s21 =	sadd.s32 s21, s20  }
0x110: {  	[tilespmem:s21+$0x0] =	vst v1;
	s21 =	sadd.s32 s30, s22  }
0x111: {  	v1 =	vld [tilespmem:s21+$0x0];
	_ =	sdelay $0x3  }
.Ltmp4:
0x112: {  	s30 =	sadd.s32 s30, s20;
	s21 =	sor.u32 $0x30, s29;
	(pc) =	sbr.rel @p2 .LBB2_11-.Ltmp4, $4  }
0x113: {  	s22 =	sadd.s32 s21, s22;
	[tilespmem:s30+$0x0] =	vst v1  }
0x114: {  	v1 =	vld [tilespmem:s22+$0x0]  }
0x115: {  	s18 =	sadd.s32 $0x200, s18  }
0x116: {  	s19 =	sadd.s32 $0x40, s19;
	s22 =	sand.u32 $0x3C00, s18  }
0x117: {  	s18 =	sshrl.u32 s22, $0x2  }
0x118: {  	s19 =	sand.u32 $0x40, s13;
	s20 =	sadd.s32 s21, s20;
	s18 =	sor.u32 $0x30E0, s18  }
0x119: {  	s29 =	sadd.s32 s19, s18;
	[tilespmem:s20+$0x0] =	vst v1  }
0x11a: {  	v1 =	vld [tilespmem:s29+$0x0];
	_ =	sdelay $0x3  }
0x11b: {  	s12 =	sadd.s32 $0x40, s12;
	s30 =	sor.u32 $0x10, s19  }
0x11c: {  	s0 =	sadd.s32 s30, s18;
	[tilespmem:s12+$0x0] =	vst v1  }
0x11d: {  	v1 =	vld [tilespmem:s0+$0x0];
	_ =	sdelay $0x1  }
0x11e: {  	s13 =	sand.u32 $0x780, s13  }
0x11f: {  	s12 =	sadd.s32 $0x50E0, s13  }
0x120: {  	s22 =	sor.u32 $0x20, s19;
	s21 =	sadd.s32 s30, s12  }
0x121: {  	s29 =	sadd.s32 s22, s18;
	[tilespmem:s21+$0x0] =	vst v1  }
0x122: {  	v1 =	vld [tilespmem:s29+$0x0];
	_ =	sdelay $0x3  }
0x123: {  	s19 =	sor.u32 $0x30, s19;
	s30 =	sadd.s32 s22, s12  }
0x124: {  	s0 =	sadd.s32 s19, s18;
	[tilespmem:s30+$0x0] =	vst v1  }
0x125: {  	v1 =	vld [tilespmem:s0+$0x0];
	_ =	sdelay $0x3  }
0x126: {  	s12 =	sadd.s32 s19, s12  }
0x127: {  	s18 =	simm.s32 $0x80E0;
	s0 =	simm.s32 $0x50E0;
	[tilespmem:s12+$0x0] =	vst v1  }
0x128: {  	[tilespmem:s18], [sflag:$0x5] =	stream.indirect.gather [spmem:s5], $0x1, s0, s28, $0xb8;
	[tilespmem:$0xA0E0] =	vst v63  }
0x129: {  	_ =	swait.ge [sflag:s11], $0x800  }
0x12a: {  	[sflag:s11] =	ssyncset.done $0x0  }
0x12b: {  	s19 =	simm.s32 $0x78E0;
	[sflag:s11] =	ssyncadd.s32 $0xFFFFF800  }
0x12c: {  	s18 =	simm.s32 $0x88E0;
	v1 =	vld [tilespmem:s19+$0x0]  }
0x12d: {  	v2 =	vld [tilespmem:s18+$0x0];
	_ =	sdelay $0x2  }
0x12e: {  	p2 =	por $0x0, $0x0;
	s12 =	simm.s32 $0x1  }
0x12f: {  	s12 =	simm.s32 @!p2 $0x0  }
0x130: {  	s12 =	sshll.u32 s12, $0x6;
	v1 =	vmul.f32 v1, v2  }
0x131: {  	s20 =	simm.s32 $0x98E0;
	s21 =	sadd.s32 $0x0, s12  }
0x132: {  	s12 =	sor.u32 $0x80, s21;
	[tilespmem:s20+$0x0] =	vst v1  }
0x133: {  	v1 =	vld [tilespmem:s12+$0x40E0];
	_ =	sdelay $0x3  }
0x134: {  	s22 =	simm.s32 $0x68E0;
	s12 =	simm.s32 $0x0  }
0x135: {  	[tilespmem:s22+$0x0] =	vst v1;
	s22 =	sand.u32 $0x7C0, s12  }
0x136: {  	v1 =	vld [tilespmem:s22+$0x88F0]  }
0x137: {  	v2 =	vld [tilespmem:s22+$0x78F0];
	_ =	sdelay $0x3  }
0x138: {  	v3 =	vld [tilespmem:s22+$0x8900]  }
0x139: {  	v4 =	vld [tilespmem:s22+$0x7900];
	v1 =	vmul.f32 v2, v1  }
0x13a: {  	s29 =	sadd.s32 $0x10, s21  }
0x13b: {  	s13 =	sor.u32 $0x80, s29;
	[tilespmem:s22+$0x98F0] =	vst v1  }
0x13c: {  	v1 =	vld [tilespmem:s13+$0x40E0];
	_ =	sdelay $0x1  }
0x13d: {  	v5 =	vld [tilespmem:s22+$0x8910];
	v3 =	vmul.f32 v4, v3  }
0x13e: {  	v2 =	vld [tilespmem:s22+$0x7910]  }
0x13f: {  	s30 =	sadd.s32 $0x20, s21;
	[tilespmem:s22+$0x9900] =	vst v3  }
0x140: {  	s13 =	sor.u32 $0x80, s30;
	[tilespmem:s22+$0x68F0] =	vst v1  }
0x141: {  	v1 =	vld [tilespmem:s13+$0x40E0];
	_ =	sdelay $0x1  }
0x142: {  	v2 =	vmul.f32 v2, v5;
	_ =	sdelay $0x1  }
0x143: {  	s19 =	sadd.s32 $0x30, s21;
	[tilespmem:s22+$0x9910] =	vst v2  }
0x144: {  	s19 =	sor.u32 $0x80, s19;
	[tilespmem:s22+$0x6900] =	vst v1  }
0x145: {  	v1 =	vld [tilespmem:s19+$0x40E0];
	_ =	sdelay $0x1  }
0x146: {  	s21 =	simm.s32 $0x6920  }
0x147: {  	s20 =	simm.s32 $0x9920;
	s13 =	simm.s32 $0x80;
	s19 =	simm.s32 $0x7920  }
.LBB2_13:
0x148: {  	p2 =	por !p2, !p2;
	s12 =	sadd.s32 $0x40, s12;
	s18 =	sadd.s32 $0x40, s18  }
0x149: {  	p3 =	sne.s32 s13, $0xF80;
	[tilespmem:s22+$0x6910] =	vst v1;
	s22 =	smov.u32 s13;
	s13 =	sadd.s32 $0x80, s13  }
0x14a: {  	v1 =	vld [tilespmem:s19+$0x0]  }
0x14b: {  	v2 =	vld [tilespmem:s18+$0x0];
	_ =	sdelay $0x2  }
0x14c: {  	s29 =	simm.s32 $0x1  }
0x14d: {  	s29 =	simm.s32 @!p2 $0x0  }
0x14e: {  	s29 =	sshll.u32 s29, $0x6;
	v1 =	vmul.f32 v1, v2  }
0x14f: {  	s22 =	sadd.s32 s29, s22  }
0x150: {  	s29 =	sor.u32 $0x80, s22;
	s30 =	sadd.s32 $0x10, s22;
	s0 =	sadd.s32 $0x20, s22;
	[tilespmem:s20+$0x0] =	vst v1  }
0x151: {  	v1 =	vld [tilespmem:s29+$0x40E0];
	s29 =	sadd.s32 $0x30, s22;
	_ =	sdelay $0x4  }
0x152: {  	s22 =	sand.u32 $0x7C0, s12;
	[tilespmem:s21+$0x0] =	vst v1  }
0x153: {  	v1 =	vld [tilespmem:s22+$0x88F0]  }
0x154: {  	v2 =	vld [tilespmem:s22+$0x78F0]  }
0x155: {  	v3 =	vld [tilespmem:s22+$0x8900]  }
0x156: {  	v4 =	vld [tilespmem:s22+$0x7900]  }
0x157: {  	v5 =	vld [tilespmem:s22+$0x8910]  }
0x158: {  	v6 =	vld [tilespmem:s22+$0x7910]  }
0x159: {  	v1 =	vmul.f32 v2, v1  }
0x15a: {  	s30 =	sor.u32 $0x80, s30  }
0x15b: {  	[tilespmem:s22+$0x98F0] =	vst v1;
	v1 =	vmul.f32 v4, v3  }
0x15c: {  	v2 =	vld [tilespmem:s30+$0x40E0]  }
0x15d: {  	[tilespmem:s22+$0x9900] =	vst v1;
	_ =	sdelay $0x2  }
0x15e: {  	s0 =	sor.u32 $0x80, s0  }
0x15f: {  	v1 =	vmul.f32 v6, v5;
	[tilespmem:s22+$0x68F0] =	vst v2  }
0x160: {  	v2 =	vld [tilespmem:s0+$0x40E0]  }
0x161: {  	[tilespmem:s22+$0x9910] =	vst v1;
	_ =	sdelay $0x2  }
0x162: {  	s0 =	sor.u32 $0x80, s29  }
.Ltmp5:
0x163: {  	[tilespmem:s22+$0x6900] =	vst v2;
	(pc) =	sbr.rel @p3 .LBB2_13-.Ltmp5, $2  }
0x164: {  	v1 =	vld [tilespmem:s0+$0x40E0];
	_ =	sdelay $0x2  }
0x165: {  	s19 =	sadd.s32 $0x40, s19;
	s20 =	sadd.s32 $0x40, s20;
	s21 =	sadd.s32 $0x40, s21  }
0x166: {  	_ = 	snop  }
0x167: {  	s0 =	simm.s32 $0x68E0;
	s12 =	simm.s32 $0x98E0;
	s24 =	sadd.s32 s16, s24;
	[tilespmem:s22+$0x6910] =	vst v1  }
0x168: {  	[spmem:s4] =	stream.indirect.scatter.add.f32 [tilespmem:s12], [sflag:$0x8], $0x1, s0, s28, $0xb8;
	[tilespmem:$0xA0E0] =	vst v63  }
0x169: {  	p2 =	slt.u32 s24, $0xC35;
	s0 =	sshll.u32 s24, $0x4  }
0x16a: {  	s13 =	simm.s32 $0x40E0;
	s17 =	sadd.s32 $0x1, s17;
	s0 =	simm.s32 @!p2 $0x0  }
0x16b: {  	_ =	swait.ge [sflag:s14], $0x800;
	p2 =	sne.s32 s17, $0x30;
	s29 =	sshll.u32 s0, $0x5  }
.Ltmp6:
0x16c: {  	[sflag:s14] =	ssyncset.done $0x0;
	s12 =	sand.u32 $0x1FFFFE00, s29;
	(pc) =	sbr.rel @p2 .LBB2_6-.Ltmp6, $4  }
0x16d: {  	s0 =	sshll.u32 s0, $0x4;
	[sflag:s14] =	ssyncadd.s32 $0xFFFFF800;
	s12 =	sadd.s32 s2, s12  }
0x16e: {  	[tilespmem:s13], [sflag:$0x2] =	stream.linear.gather [hbm4b:s12+s6], $0x1000, $0x38;
	[tilespmem:$0xA0E0] =	vst v63  }
0x16f: {  	s30 =	simm.s32 $0x78E0;
	s0 =	sadd.s32 s3, s0  }
0x170: {  	[tilespmem:s30], [sflag:$0x4] =	stream.linear.gather [hbm4b:s0+s6], $0x800, $0x38;
	[tilespmem:$0xA0E0] =	vst v63  }
0x171: {  	_ =	swait.ge [sflag:s31], $0x1000  }
0x172: {  	s0 =	simm.s32 $0x0;
	[sflag:s31] =	ssyncset.done $0x0  }
0x173: {  	s10 =	sand.u32 $0x3C00, s0;
	[sflag:s31] =	ssyncadd.s32 $0xFFFFF000  }
0x174: {  	s10 =	sshrl.u32 s10, $0x2;
	_ =	swait.ge [sflag:s1], $0x800  }
0x175: {  	s12 =	sand.u32 $0x40, s0;
	s13 =	sor.u32 $0x40E0, s10;
	[sflag:s1] =	ssyncset.done $0x0  }
0x176: {  	s10 =	sadd.s32 s12, s13;
	[sflag:s1] =	ssyncadd.s32 $0xFFFFF800  }
0x177: {  	v1 =	vld [tilespmem:s10+$0x0];
	_ =	sdelay $0x3  }
0x178: {  	s17 =	sor.u32 $0x10, s12;
	s10 =	simm.s32 $0x58E0  }
0x179: {  	s18 =	sadd.s32 s17, s13;
	[tilespmem:s10+$0x0] =	vst v1  }
0x17a: {  	v1 =	vld [tilespmem:s18+$0x0];
	_ =	sdelay $0x1  }
0x17b: {  	s0 =	sand.u32 $0x780, s0  }
0x17c: {  	s18 =	sadd.s32 $0x58E0, s0  }
0x17d: {  	s22 =	sor.u32 $0x20, s12;
	s0 =	sadd.s32 s17, s18  }
0x17e: {  	s24 =	sadd.s32 s22, s13;
	[tilespmem:s0+$0x0] =	vst v1  }
0x17f: {  	v1 =	vld [tilespmem:s24+$0x0];
	_ =	sdelay $0x3  }
0x180: {  	s19 =	sor.u32 $0x30, s12;
	s29 =	sadd.s32 s22, s18  }
0x181: {  	s30 =	sadd.s32 s19, s13;
	[tilespmem:s29+$0x0] =	vst v1  }
0x182: {  	v1 =	vld [tilespmem:s30+$0x0]  }
0x183: {  	s13 =	simm.s32 $0x200  }
0x184: {  	s12 =	simm.s32 $0x40;
	s20 =	sand.u32 $0x3C00, s13;
	s17 =	simm.s32 $0x80  }
.LBB2_16:
0x185: {  	p2 =	sne.s32 s17, $0x7C0;
	s0 =	sshrl.u32 s20, $0x2  }
0x186: {  	s20 =	sand.u32 $0x40, s12;
	s18 =	sadd.s32 s19, s18;
	s0 =	sor.u32 $0x40E0, s0  }
0x187: {  	s19 =	sadd.s32 s20, s0;
	[tilespmem:s18+$0x0] =	vst v1  }
0x188: {  	v1 =	vld [tilespmem:s19+$0x0];
	_ =	sdelay $0x3  }
0x189: {  	s10 =	sadd.s32 $0x40, s10;
	s19 =	sor.u32 $0x10, s20  }
0x18a: {  	s18 =	sadd.s32 s19, s0;
	[tilespmem:s10+$0x0] =	vst v1  }
0x18b: {  	v1 =	vld [tilespmem:s18+$0x0];
	_ =	sdelay $0x1  }
0x18c: {  	s18 =	sand.u32 $0x780, s12;
	s12 =	smov.u32 s17  }
0x18d: {  	s18 =	sadd.s32 $0x58E0, s18  }
0x18e: {  	s21 =	sor.u32 $0x20, s20;
	s19 =	sadd.s32 s19, s18  }
0x18f: {  	[tilespmem:s19+$0x0] =	vst v1;
	s19 =	sadd.s32 s21, s0  }
0x190: {  	v1 =	vld [tilespmem:s19+$0x0];
	_ =	sdelay $0x3  }
.Ltmp7:
0x191: {  	s21 =	sadd.s32 s21, s18;
	s19 =	sor.u32 $0x30, s20;
	(pc) =	sbr.rel @p2 .LBB2_16-.Ltmp7, $4  }
0x192: {  	s0 =	sadd.s32 s19, s0;
	[tilespmem:s21+$0x0] =	vst v1  }
0x193: {  	v1 =	vld [tilespmem:s0+$0x0]  }
0x194: {  	s13 =	sadd.s32 $0x200, s13  }
0x195: {  	s17 =	sadd.s32 $0x40, s17;
	s20 =	sand.u32 $0x3C00, s13  }
0x196: {  	s0 =	sshrl.u32 s20, $0x2  }
0x197: {  	s13 =	sand.u32 $0x40, s12;
	s17 =	sadd.s32 s19, s18;
	s0 =	sor.u32 $0x40E0, s0  }
0x198: {  	s19 =	sadd.s32 s13, s0;
	[tilespmem:s17+$0x0] =	vst v1  }
0x199: {  	v1 =	vld [tilespmem:s19+$0x0];
	_ =	sdelay $0x3  }
0x19a: {  	s10 =	sadd.s32 $0x40, s10;
	s20 =	sor.u32 $0x10, s13  }
0x19b: {  	s21 =	sadd.s32 s20, s0;
	[tilespmem:s10+$0x0] =	vst v1  }
0x19c: {  	v1 =	vld [tilespmem:s21+$0x0];
	_ =	sdelay $0x1  }
0x19d: {  	s22 =	sand.u32 $0x780, s12  }
0x19e: {  	s10 =	sadd.s32 $0x58E0, s22  }
0x19f: {  	s29 =	sor.u32 $0x20, s13;
	s24 =	sadd.s32 s20, s10  }
0x1a0: {  	s30 =	sadd.s32 s29, s0;
	[tilespmem:s24+$0x0] =	vst v1  }
0x1a1: {  	v1 =	vld [tilespmem:s30+$0x0];
	_ =	sdelay $0x3  }
0x1a2: {  	s13 =	sor.u32 $0x30, s13;
	s17 =	sadd.s32 s29, s10  }
0x1a3: {  	s0 =	sadd.s32 s13, s0;
	[tilespmem:s17+$0x0] =	vst v1  }
0x1a4: {  	v1 =	vld [tilespmem:s0+$0x0];
	_ =	sdelay $0x3  }
0x1a5: {  	s18 =	sadd.s32 s13, s10  }
0x1a6: {  	s19 =	simm.s32 $0x58E0;
	[tilespmem:s18+$0x0] =	vst v1  }
0x1a7: {  	[tilespmem:s7], [sflag:$0x6] =	stream.indirect.gather [spmem:s5], $0x1, s19, s28, $0xb8;
	[tilespmem:$0xA0E0] =	vst v63  }
0x1a8: {  	_ =	swait.ge [sflag:s8], $0x800  }
0x1a9: {  	[sflag:s8] =	ssyncset.done $0x0  }
0x1aa: {  	s20 =	simm.s32 $0x70E0;
	[sflag:s8] =	ssyncadd.s32 $0xFFFFF800  }
0x1ab: {  	s10 =	simm.s32 $0x80E0;
	v1 =	vld [tilespmem:s20+$0x0]  }
0x1ac: {  	v2 =	vld [tilespmem:s10+$0x0];
	_ =	sdelay $0x2  }
0x1ad: {  	p2 =	por $0x0, $0x0;
	s0 =	simm.s32 $0x1  }
0x1ae: {  	s0 =	simm.s32 @!p2 $0x0  }
0x1af: {  	s0 =	sshll.u32 s0, $0x6;
	v1 =	vmul.f32 v1, v2  }
0x1b0: {  	s21 =	simm.s32 $0x90E0;
	s0 =	sadd.s32 $0x0, s0  }
0x1b1: {  	s22 =	sor.u32 $0x80, s0;
	[tilespmem:s21+$0x0] =	vst v1  }
0x1b2: {  	v1 =	vld [tilespmem:s22+$0x30E0];
	_ =	sdelay $0x3  }
0x1b3: {  	s12 =	simm.s32 $0x0;
	s24 =	simm.s32 $0x60E0  }
0x1b4: {  	s20 =	sand.u32 $0x7C0, s12;
	[tilespmem:s24+$0x0] =	vst v1  }
0x1b5: {  	v1 =	vld [tilespmem:s20+$0x80F0]  }
0x1b6: {  	v2 =	vld [tilespmem:s20+$0x70F0];
	_ =	sdelay $0x3  }
0x1b7: {  	v3 =	vld [tilespmem:s20+$0x8100]  }
0x1b8: {  	v4 =	vld [tilespmem:s20+$0x7100];
	v1 =	vmul.f32 v2, v1  }
0x1b9: {  	s29 =	sadd.s32 $0x10, s0  }
0x1ba: {  	s13 =	sor.u32 $0x80, s29;
	[tilespmem:s20+$0x90F0] =	vst v1  }
0x1bb: {  	v1 =	vld [tilespmem:s13+$0x30E0];
	_ =	sdelay $0x1  }
0x1bc: {  	v5 =	vld [tilespmem:s20+$0x8110];
	v3 =	vmul.f32 v4, v3  }
0x1bd: {  	v2 =	vld [tilespmem:s20+$0x7110]  }
0x1be: {  	s30 =	sadd.s32 $0x20, s0;
	[tilespmem:s20+$0x9100] =	vst v3  }
0x1bf: {  	s13 =	sor.u32 $0x80, s30;
	[tilespmem:s20+$0x60F0] =	vst v1  }
0x1c0: {  	v1 =	vld [tilespmem:s13+$0x30E0];
	_ =	sdelay $0x1  }
0x1c1: {  	v2 =	vmul.f32 v2, v5;
	_ =	sdelay $0x1  }
0x1c2: {  	s0 =	sadd.s32 $0x30, s0;
	[tilespmem:s20+$0x9110] =	vst v2  }
0x1c3: {  	s0 =	sor.u32 $0x80, s0;
	[tilespmem:s20+$0x6100] =	vst v1  }
0x1c4: {  	v1 =	vld [tilespmem:s0+$0x30E0];
	_ =	sdelay $0x1  }
0x1c5: {  	s17 =	simm.s32 $0x7120  }
0x1c6: {  	s18 =	simm.s32 $0x9120;
	s19 =	simm.s32 $0x6120;
	s13 =	simm.s32 $0x80  }
.LBB2_18:
0x1c7: {  	p2 =	por !p2, !p2;
	s12 =	sadd.s32 $0x40, s12;
	s10 =	sadd.s32 $0x40, s10  }
0x1c8: {  	p3 =	sne.s32 s13, $0xF80;
	s0 =	smov.u32 s13;
	s13 =	sadd.s32 $0x80, s13;
	[tilespmem:s20+$0x6110] =	vst v1  }
0x1c9: {  	v1 =	vld [tilespmem:s17+$0x0]  }
0x1ca: {  	v2 =	vld [tilespmem:s10+$0x0];
	_ =	sdelay $0x2  }
0x1cb: {  	s20 =	simm.s32 $0x1  }
0x1cc: {  	s20 =	simm.s32 @!p2 $0x0  }
0x1cd: {  	s20 =	sshll.u32 s20, $0x6;
	v1 =	vmul.f32 v1, v2  }
0x1ce: {  	s0 =	sadd.s32 s20, s0  }
0x1cf: {  	s20 =	sor.u32 $0x80, s0;
	s21 =	sadd.s32 $0x10, s0;
	s22 =	sadd.s32 $0x20, s0;
	[tilespmem:s18+$0x0] =	vst v1  }
0x1d0: {  	s0 =	sadd.s32 $0x30, s0;
	v1 =	vld [tilespmem:s20+$0x30E0];
	_ =	sdelay $0x4  }
0x1d1: {  	s20 =	sand.u32 $0x7C0, s12;
	[tilespmem:s19+$0x0] =	vst v1  }
0x1d2: {  	v1 =	vld [tilespmem:s20+$0x80F0]  }
0x1d3: {  	v2 =	vld [tilespmem:s20+$0x70F0]  }
0x1d4: {  	v3 =	vld [tilespmem:s20+$0x8100]  }
0x1d5: {  	v4 =	vld [tilespmem:s20+$0x7100]  }
0x1d6: {  	v5 =	vld [tilespmem:s20+$0x8110]  }
0x1d7: {  	v6 =	vld [tilespmem:s20+$0x7110]  }
0x1d8: {  	v1 =	vmul.f32 v2, v1  }
0x1d9: {  	s21 =	sor.u32 $0x80, s21  }
0x1da: {  	[tilespmem:s20+$0x90F0] =	vst v1;
	v1 =	vmul.f32 v4, v3  }
0x1db: {  	v2 =	vld [tilespmem:s21+$0x30E0]  }
0x1dc: {  	[tilespmem:s20+$0x9100] =	vst v1;
	_ =	sdelay $0x2  }
0x1dd: {  	s21 =	sor.u32 $0x80, s22  }
0x1de: {  	v1 =	vmul.f32 v6, v5;
	[tilespmem:s20+$0x60F0] =	vst v2  }
0x1df: {  	v2 =	vld [tilespmem:s21+$0x30E0]  }
0x1e0: {  	[tilespmem:s20+$0x9110] =	vst v1;
	_ =	sdelay $0x2  }
0x1e1: {  	s0 =	sor.u32 $0x80, s0  }
.Ltmp8:
0x1e2: {  	[tilespmem:s20+$0x6100] =	vst v2;
	(pc) =	sbr.rel @p3 .LBB2_18-.Ltmp8, $2  }
0x1e3: {  	v1 =	vld [tilespmem:s0+$0x30E0];
	_ =	sdelay $0x2  }
0x1e4: {  	s17 =	sadd.s32 $0x40, s17;
	s18 =	sadd.s32 $0x40, s18;
	s19 =	sadd.s32 $0x40, s19  }
0x1e5: {  	_ = 	snop  }
0x1e6: {  	s0 =	simm.s32 $0x8;
	[tilespmem:s20+$0x6110] =	vst v1  }
0x1e7: {  	[spmem:s4] =	stream.indirect.scatter.add.f32 [tilespmem:s23], [sflag:$0x7], $0x1, s9, s28, $0xb8;
	[tilespmem:$0xA0E0] =	vst v63  }
0x1e8: {  	_ =	swait.ge [sflag:s0], $0x800  }
0x1e9: {  	[sflag:s0] =	ssyncset.done $0x0  }
0x1ea: {  	[sflag:s0] =	ssyncadd.s32 $0xFFFFF800  }
0x1eb: {  	_ =	swait.ge [sflag:s11], $0x800  }
0x1ec: {  	[sflag:s11] =	ssyncset.done $0x0  }
0x1ed: {  	s22 =	simm.s32 $0x78E0;
	[sflag:s11] =	ssyncadd.s32 $0xFFFFF800  }
0x1ee: {  	s10 =	simm.s32 $0x88E0;
	v1 =	vld [tilespmem:s22+$0x0]  }
0x1ef: {  	v2 =	vld [tilespmem:s10+$0x0];
	_ =	sdelay $0x2  }
0x1f0: {  	p2 =	por $0x0, $0x0;
	s0 =	simm.s32 $0x1  }
0x1f1: {  	s0 =	simm.s32 @!p2 $0x0  }
0x1f2: {  	s0 =	sshll.u32 s0, $0x6;
	v1 =	vmul.f32 v1, v2  }
0x1f3: {  	s12 =	simm.s32 $0x98E0;
	s0 =	sadd.s32 $0x0, s0  }
0x1f4: {  	s24 =	sor.u32 $0x80, s0;
	[tilespmem:s12+$0x0] =	vst v1  }
0x1f5: {  	v1 =	vld [tilespmem:s24+$0x40E0];
	_ =	sdelay $0x3  }
0x1f6: {  	s13 =	simm.s32 $0x68E0;
	s12 =	simm.s32 $0x0  }
0x1f7: {  	s20 =	sand.u32 $0x7C0, s12;
	[tilespmem:s13+$0x0] =	vst v1  }
0x1f8: {  	v1 =	vld [tilespmem:s20+$0x88F0]  }
0x1f9: {  	v2 =	vld [tilespmem:s20+$0x78F0];
	_ =	sdelay $0x3  }
0x1fa: {  	v3 =	vld [tilespmem:s20+$0x8900]  }
0x1fb: {  	v4 =	vld [tilespmem:s20+$0x7900];
	v1 =	vmul.f32 v2, v1  }
0x1fc: {  	s29 =	sadd.s32 $0x10, s0  }
0x1fd: {  	s13 =	sor.u32 $0x80, s29;
	[tilespmem:s20+$0x98F0] =	vst v1  }
0x1fe: {  	v1 =	vld [tilespmem:s13+$0x40E0];
	_ =	sdelay $0x1  }
0x1ff: {  	v5 =	vld [tilespmem:s20+$0x8910];
	v3 =	vmul.f32 v4, v3  }
0x200: {  	v2 =	vld [tilespmem:s20+$0x7910]  }
0x201: {  	s30 =	sadd.s32 $0x20, s0;
	[tilespmem:s20+$0x9900] =	vst v3  }
0x202: {  	s13 =	sor.u32 $0x80, s30;
	[tilespmem:s20+$0x68F0] =	vst v1  }
0x203: {  	v1 =	vld [tilespmem:s13+$0x40E0];
	_ =	sdelay $0x1  }
0x204: {  	v2 =	vmul.f32 v2, v5;
	_ =	sdelay $0x1  }
0x205: {  	s0 =	sadd.s32 $0x30, s0;
	[tilespmem:s20+$0x9910] =	vst v2  }
0x206: {  	s0 =	sor.u32 $0x80, s0;
	[tilespmem:s20+$0x6900] =	vst v1  }
0x207: {  	v1 =	vld [tilespmem:s0+$0x40E0];
	_ =	sdelay $0x1  }
0x208: {  	s17 =	simm.s32 $0x7920  }
0x209: {  	s18 =	simm.s32 $0x9920;
	s19 =	simm.s32 $0x6920;
	s13 =	simm.s32 $0x80  }
.LBB2_20:
0x20a: {  	p2 =	por !p2, !p2;
	s12 =	sadd.s32 $0x40, s12;
	s10 =	sadd.s32 $0x40, s10  }
0x20b: {  	p3 =	sne.s32 s13, $0xF80;
	s0 =	smov.u32 s13;
	s13 =	sadd.s32 $0x80, s13;
	[tilespmem:s20+$0x6910] =	vst v1  }
0x20c: {  	v1 =	vld [tilespmem:s17+$0x0]  }
0x20d: {  	v2 =	vld [tilespmem:s10+$0x0];
	_ =	sdelay $0x2  }
0x20e: {  	s20 =	simm.s32 $0x1  }
0x20f: {  	s20 =	simm.s32 @!p2 $0x0  }
0x210: {  	s20 =	sshll.u32 s20, $0x6;
	v1 =	vmul.f32 v1, v2  }
0x211: {  	s0 =	sadd.s32 s20, s0  }
0x212: {  	s20 =	sor.u32 $0x80, s0;
	s21 =	sadd.s32 $0x10, s0;
	s22 =	sadd.s32 $0x20, s0;
	[tilespmem:s18+$0x0] =	vst v1  }
0x213: {  	s0 =	sadd.s32 $0x30, s0;
	v1 =	vld [tilespmem:s20+$0x40E0];
	_ =	sdelay $0x4  }
0x214: {  	s20 =	sand.u32 $0x7C0, s12;
	[tilespmem:s19+$0x0] =	vst v1  }
0x215: {  	v1 =	vld [tilespmem:s20+$0x88F0]  }
0x216: {  	v2 =	vld [tilespmem:s20+$0x78F0]  }
0x217: {  	v3 =	vld [tilespmem:s20+$0x8900]  }
0x218: {  	v4 =	vld [tilespmem:s20+$0x7900]  }
0x219: {  	v5 =	vld [tilespmem:s20+$0x8910]  }
0x21a: {  	v6 =	vld [tilespmem:s20+$0x7910]  }
0x21b: {  	v1 =	vmul.f32 v2, v1  }
0x21c: {  	s21 =	sor.u32 $0x80, s21  }
0x21d: {  	[tilespmem:s20+$0x98F0] =	vst v1;
	v1 =	vmul.f32 v4, v3  }
0x21e: {  	v2 =	vld [tilespmem:s21+$0x40E0]  }
0x21f: {  	[tilespmem:s20+$0x9900] =	vst v1;
	_ =	sdelay $0x2  }
0x220: {  	s21 =	sor.u32 $0x80, s22  }
0x221: {  	v1 =	vmul.f32 v6, v5;
	[tilespmem:s20+$0x68F0] =	vst v2  }
0x222: {  	v2 =	vld [tilespmem:s21+$0x40E0]  }
0x223: {  	[tilespmem:s20+$0x9910] =	vst v1;
	_ =	sdelay $0x2  }
0x224: {  	s0 =	sor.u32 $0x80, s0  }
.Ltmp9:
0x225: {  	[tilespmem:s20+$0x6900] =	vst v2;
	(pc) =	sbr.rel @p3 .LBB2_20-.Ltmp9, $2  }
0x226: {  	v1 =	vld [tilespmem:s0+$0x40E0];
	_ =	sdelay $0x2  }
0x227: {  	s17 =	sadd.s32 $0x40, s17;
	s18 =	sadd.s32 $0x40, s18;
	s19 =	sadd.s32 $0x40, s19  }
0x228: {  	_ = 	snop  }
0x229: {  	s0 =	simm.s32 @!p1 $0x800;
	s10 =	simm.s32 @!p1 $0x68E0;
	s12 =	simm.s32 @!p1 $0x98E0;
	[tilespmem:s20+$0x6910] =	vst v1  }
0x22a: {  	[spmem:s4] =	stream.indirect.scatter.add.f32 @!p1 [tilespmem:s12], [sflag:$0x8], $0x1, s10, s0, $0xb8;
	[tilespmem:$0xA0E0] =	vst v63  }
0x22b: {  	s0 =	simm.s32 @!p1 $0x7  }
0x22c: {  	_ =	swait.ge @!p1 [sflag:s0], $0x800  }
0x22d: {  	s10 =	simm.s32 @!p1 $0x8;
	[sflag:s0] =	ssyncset.done @!p1 $0x0  }
0x22e: {  	s10 =	simm.s32 @p1 $0x7;
	[sflag:s0] =	ssyncadd.s32 @!p1 $0xFFFFF800  }
0x22f: {  	_ =	swait.ge [sflag:s10], $0x800  }
0x230: {  	[sflag:s10] =	ssyncset.done $0x0  }
0x231: {  	s13 =	simm.s32 @!p0 $0x10;
	[sflag:s10] =	ssyncadd.s32 $0xFFFFF800  }
0x232: {  	s17 =	simm.s32 @!p0 $0x1C09;
	s12 =	simm.s32 @!p0 $0x20;
	[bflag:$0x0] =	sbarrier.arrive $0xFFFF  }
0x233: {  	s0 =	sshrl.u32 @!p0 s4, $0x3;
	s10 =	simm.s32 @!p0 $0x1;
	s18 =	rddreg [dreg:$0xf]  }
0x234: {  	[hbm:s18@s12], [sflag:s17] =	dma.strided @!p0 [spmem:s0@s13], $0x30E0, s10, $0x10   }
0x235: {  	s0 =	simm.s32 @!p0 $0x9  }
0x236: {  	_ =	swait.ge @!p0 [sflag:s0], $0x30E0  }
0x237: {  	s29 =	rddreg [dreg:$0x11]  }
0x238: {  	s30 =	rddreg [dreg:$0x10];
	s12 =	sadd.s32 $0x1, s29  }
0x239: {  	p2 =	sne.s32 s12, s30  }
.Ltmp10:
0x23a: {  	_ = 	snop;
	(pc) =	sbr.rel @p2 .LBB2_1-.Ltmp10, $3  }
0x23b: {  	_ =	sdelay $0x1  }
0x23c: {  	[sflag:s0] =	ssyncset.done @!p0 $0x0  }
0x23d: {  	[sflag:s0] =	ssyncadd.s32 @!p0 $0xFFFFCF20  }
0x23e: {  	_ =	sfence.sel $0x180000  }
0x23f: {  	[bflag:$0x0] =	sbarrier.arrive $0xFFFF  }
0x240: {  	_ =	strace $0x90000047  }
0x241: {  	[bflag:$0x2] =	sbarrier.arrive $0xFFFF  }
0x242: {  	s0 =	rddreg [dreg:$0x6]  }
0x243: {  	s0 =	sadd.s32 @!p0 $0x100000, s0  }
0x244: {  	[sflag:s0] =	ssyncadd.tile.s32 @!p0 $0x1;
	_ =	shalt  }
.Lfunc_end2:
_tile_overlayer_lowered:
.L_overlay_start_2:
0x245: {  	(tag) =	ssettag $0x2  }
0x246: {  	s0 =	rddreg [dreg:$0x0];
	s2 =	stileid.u32  }
0x247: {  	s1 =	rddreg [dreg:$0x1];
	p0 =	sne.s32 s2, $0x0  }
0x248: {  	s3 =	rddreg [dreg:$0x2];
	[bflag:$0x3] =	sbarrier.arrive $0xFFFF;
	s2 =	simm.s32 @!p0 $0x1C09  }
0x249: {  	[timem:s3], [sflag:s2] =	dma.local @!p0 [hbm:s0], s1  }
0x24a: {  	s0 =	simm.s32 @!p0 $0x9  }
0x24b: {  	_ =	swait.ge @!p0 [sflag:s0], s1  }
0x24c: {  	s1 =	ssub.s32 @!p0 $0x0, s1;
	[sflag:s0] =	ssyncset.done @!p0 $0x0  }
0x24d: {  	[sflag:s0] =	ssyncadd.s32 @!p0 s1  }
0x24e: {  	[bflag:$0x3] =	sbarrier.arrive $0xFFFF  }
0x24f: {  	_ =	shalt  }

</sc_bundles>
